<compile_context>
chip_gen: v7x
topology: tpu7x:2x2x1
jax: 0.10.2.dev20260603
libtpu: 0.0.44.dev20260713+nightly
codegen_flags: <defaults>
</compile_context>

<pallas_src>
import functools

import jax
import jax.numpy as jnp
import numpy as np
from jax import lax
from jax.experimental import pallas as pl
from jax.experimental.pallas import tpu as pltpu
from jax.experimental.pallas import tpu_sc as plsc

B = 8
LQ = 300
E = 256
H = 8
HD = 32
P = 16
SPATIAL = ((128, 128), (64, 64), (32, 32), (16, 16))
LV = sum(h * w for h, w in SPATIAL)
NCORN = 4 * P
N4 = B * H * NCORN * LQ
NW = 32
ROWS_PER_W = N4 // NW
CHUNK = 128
NCHUNK = ROWS_PER_W // CHUNK
LV_BLK = 1280
OFFSET_MUL = 0.125


def _vproj_body(v_ref, w_ref, b_ref, o_ref):
    o_ref[0] = (
        jnp.dot(v_ref[0], w_ref[...], preferred_element_type=jnp.float32)
        + b_ref[...]
    )


def _idx_body(qt_ref, rpt_ref, wa_ref, ba_ref, wox_ref, box_ref, woy_ref,
              boy_ref, c_ref, idx_ref, wt_ref):
    b = pl.program_id(0)
    h = pl.program_id(1)
    q = qt_ref[0]
    a = jnp.dot(wa_ref[0], q, preferred_element_type=jnp.float32) + ba_ref[0]
    m = jnp.max(a, axis=0, keepdims=True)
    e = jnp.exp(a - m)
    aw = e / jnp.sum(e, axis=0, keepdims=True)
    sx = jnp.dot(wox_ref[0], q, preferred_element_type=jnp.float32) + box_ref[0]
    sy = jnp.dot(woy_ref[0], q, preferred_element_type=jnp.float32) + boy_ref[0]
    refx = rpt_ref[0, 0:1, :]
    refy = rpt_ref[0, 1:2, :]
    refw = rpt_ref[0, 2:3, :]
    refh = rpt_ref[0, 3:4, :]
    wc = c_ref[:, 0:1]
    hc = c_ref[:, 1:2]
    sv = c_ref[:, 2:3]
    ix = (refx + sx * OFFSET_MUL * refw) * wc - 0.5
    iy = (refy + sy * OFFSET_MUL * refh) * hc - 0.5
    x0 = jnp.floor(ix)
    y0 = jnp.floor(iy)
    fx = ix - x0
    fy = iy - y0
    base = b * (LV * H) + h
    for ci, (dx, dy) in enumerate(((0.0, 0.0), (1.0, 0.0), (0.0, 1.0),
                                   (1.0, 1.0))):
        xn = x0 + dx
        yn = y0 + dy
        valid = ((xn >= 0.0) & (xn <= wc - 1.0)
                 & (yn >= 0.0) & (yn <= hc - 1.0))
        xc = jnp.clip(xn, 0.0, wc - 1.0)
        yc = jnp.clip(yn, 0.0, hc - 1.0)
        pos = sv + yc * wc + xc
        r = pos.astype(jnp.int32) * H + base
        wx = fx if dx else 1.0 - fx
        wy = fy if dy else 1.0 - fy
        wgt = jnp.where(valid, wx * wy * aw, 0.0)
        idx_ref[0, 0, ci * P:(ci + 1) * P, :] = r
        wt_ref[0, 0, ci * P:(ci + 1) * P, :] = wgt


def _gather_body(table_ref, idx_ref, out_ref, idx_v, buf_a, buf_b, sem_a,
                 sem_b):
    wid = lax.axis_index("s") * 2 + lax.axis_index("c")
    pltpu.sync_copy(idx_ref.at[wid], idx_v)
    base = wid * ROWS_PER_W
    pltpu.async_copy(table_ref.at[idx_v.at[0]], buf_a, sem_a)

    def pair(g2, carry):
        ga = 2 * g2
        pltpu.make_async_copy(table_ref.at[idx_v.at[ga]], buf_a, sem_a).wait()
        pltpu.async_copy(table_ref.at[idx_v.at[ga + 1]], buf_b, sem_b)
        pltpu.sync_copy(buf_a, out_ref.at[pl.ds(base + ga * CHUNK, CHUNK)])
        pltpu.make_async_copy(
            table_ref.at[idx_v.at[ga + 1]], buf_b, sem_b).wait()

        @pl.when(g2 < NCHUNK // 2 - 1)
        def _():
            pltpu.async_copy(table_ref.at[idx_v.at[ga + 2]], buf_a, sem_a)

        pltpu.sync_copy(
            buf_b, out_ref.at[pl.ds(base + (ga + 1) * CHUNK, CHUNK)])
        return carry

    lax.fori_loop(0, NCHUNK // 2, pair, 0)


def _reduce_body(g_ref, w_ref, wo_ref, bo_ref, o_ref):
    h = pl.program_id(1)
    g = g_ref[0, 0]
    w4 = w_ref[0, 0]
    hs = None
    for c in range(4):
        part = jnp.sum(g[:, :, c * HD:(c + 1) * HD] * w4[c][:, :, None],
                       axis=1)
        hs = part if hs is None else hs + part
    part = jnp.dot(hs, wo_ref[0], preferred_element_type=jnp.float32)

    @pl.when(h == 0)
    def _():
        o_ref[0] = part + bo_ref[...]

    @pl.when(h != 0)
    def _():
        o_ref[0] = o_ref[0] + part


_LEVEL_CONSTS = np.zeros((P, 3), np.float32)
_sv = 0
for _l, (_h, _w) in enumerate(SPATIAL):
    _LEVEL_CONSTS[_l * 4:(_l + 1) * 4, 0] = _w
    _LEVEL_CONSTS[_l * 4:(_l + 1) * 4, 1] = _h
    _LEVEL_CONSTS[_l * 4:(_l + 1) * 4, 2] = _sv
    _sv += _h * _w


def kernel(query, reference_points, value, value_spatial_shapes, Wv, bv, Wo,
           bo, Wa, ba, Wout, bout):
    del value_spatial_shapes
    f32 = jnp.float32

    qt = query.transpose(0, 2, 1)
    rpt = reference_points[:, :, 0, :].transpose(0, 2, 1)
    wo4 = Wo.reshape(H, P, 2, E)
    wox, woy = wo4[:, :, 0, :], wo4[:, :, 1, :]
    bo4 = bo.reshape(H, P, 2)
    box, boy = bo4[:, :, 0][:, :, None], bo4[:, :, 1][:, :, None]
    wa3 = Wa.reshape(H, P, E)
    ba3 = ba.reshape(H, P, 1)
    consts = jnp.asarray(_LEVEL_CONSTS)
    wvt = Wv.T
    bv2 = bv.reshape(1, E)
    wot = Wout.T
    bout2 = bout.reshape(1, E)

    nblk = LV // LV_BLK
    table = pl.pallas_call(
        _vproj_body,
        grid=(B, nblk),
        in_specs=[
            pl.BlockSpec((1, LV_BLK, E), lambda b, i: (b, i, 0)),
            pl.BlockSpec((E, E), lambda b, i: (0, 0)),
            pl.BlockSpec((1, E), lambda b, i: (0, 0)),
        ],
        out_specs=pl.BlockSpec((1, LV_BLK, E), lambda b, i: (b, i, 0)),
        out_shape=jax.ShapeDtypeStruct((B, LV, E), f32),
    )(value, wvt, bv2)

    idx, wts = pl.pallas_call(
        _idx_body,
        grid=(B, H),
        in_specs=[
            pl.BlockSpec((1, E, LQ), lambda b, h: (b, 0, 0)),
            pl.BlockSpec((1, 4, LQ), lambda b, h: (b, 0, 0)),
            pl.BlockSpec((1, P, E), lambda b, h: (h, 0, 0)),
            pl.BlockSpec((1, P, 1), lambda b, h: (h, 0, 0)),
            pl.BlockSpec((1, P, E), lambda b, h: (h, 0, 0)),
            pl.BlockSpec((1, P, 1), lambda b, h: (h, 0, 0)),
            pl.BlockSpec((1, P, E), lambda b, h: (h, 0, 0)),
            pl.BlockSpec((1, P, 1), lambda b, h: (h, 0, 0)),
            pl.BlockSpec((P, 3), lambda b, h: (0, 0)),
        ],
        out_specs=[
            pl.BlockSpec((1, 1, NCORN, LQ), lambda b, h: (b, h, 0, 0)),
            pl.BlockSpec((1, 1, NCORN, LQ), lambda b, h: (b, h, 0, 0)),
        ],
        out_shape=[
            jax.ShapeDtypeStruct((B, H, NCORN, LQ), jnp.int32),
            jax.ShapeDtypeStruct((B, H, NCORN, LQ), f32),
        ],
    )(qt, rpt, wa3, ba3, wox, box, woy, boy, consts)

    table_rows = table.reshape(B * LV * H, HD)
    idx5 = idx.reshape(B, H, 4, P, LQ).transpose(0, 1, 4, 3, 2)
    idx_flat = idx5.reshape(NW, NCHUNK, CHUNK)
    w5 = wts.reshape(B, H, 4, P, LQ).transpose(0, 1, 2, 4, 3)
    mesh = plsc.VectorSubcoreMesh(core_axis_name="c", subcore_axis_name="s")
    gathered = pl.kernel(
        _gather_body,
        out_type=jax.ShapeDtypeStruct((N4, HD), f32),
        mesh=mesh,
        scratch_types=[
            pltpu.VMEM((NCHUNK, CHUNK), jnp.int32),
            pltpu.VMEM((CHUNK, HD), f32),
            pltpu.VMEM((CHUNK, HD), f32),
            pltpu.SemaphoreType.DMA,
            pltpu.SemaphoreType.DMA,
        ],
        compiler_params=pltpu.CompilerParams(use_tc_tiling_on_sc=False),
    )(table_rows, idx_flat)

    g5 = gathered.reshape(B, H, LQ, P, 4 * HD)
    wot3 = wot.reshape(H, HD, E)
    out = pl.pallas_call(
        _reduce_body,
        grid=(B, H),
        in_specs=[
            pl.BlockSpec((1, 1, LQ, P, 4 * HD), lambda b, h: (b, h, 0, 0, 0)),
            pl.BlockSpec((1, 1, 4, LQ, P), lambda b, h: (b, h, 0, 0, 0)),
            pl.BlockSpec((1, HD, E), lambda b, h: (h, 0, 0)),
            pl.BlockSpec((1, E), lambda b, h: (0, 0)),
        ],
        out_specs=pl.BlockSpec((1, LQ, E), lambda b, h: (b, 0, 0)),
        out_shape=jax.ShapeDtypeStruct((B, LQ, E), f32),
    )(g5, w5, wot3, bout2)
    return out

# --- scband reference (transcript-rebuilt; emitter-appended) ---
"""Pipeline reference for scband-msdeformable-attention-20950850470017 (READ-ONLY COPY).

The authoritative reference and input builder live on the scoring server;
editing this copy changes nothing except your own understanding.
"""

import jax, jax.numpy as jnp
import numpy as np

BS = 8
LQ = 300
EMBED = 256
HEADS = 8
HEAD_DIM = EMBED // HEADS
NUM_POINTS_LIST = [4, 4, 4, 4]
SUM_PTS = sum(NUM_POINTS_LIST)
TOTAL_PTS = HEADS * SUM_PTS
OFFSET_SCALE = 0.5
SPATIAL = [[128, 128], [64, 64], [32, 32], [16, 16]]
LEN_V = sum(h * w for h, w in SPATIAL)


def setup_inputs(seed: int = 0) -> dict:
    key = jax.random.key(seed)
    ks = jax.random.split(key, 10)
    query = jax.random.normal(ks[0], (BS, LQ, EMBED), jnp.float32)
    reference_points = jax.random.uniform(ks[1], (BS, LQ, 1, 4), jnp.float32)
    value = jax.random.normal(ks[2], (BS, LEN_V, EMBED), jnp.float32)
    Wv = jax.random.normal(ks[3], (EMBED, EMBED), jnp.float32) * 0.05
    bv = jnp.zeros((EMBED,), jnp.float32)
    Wo = jax.random.normal(ks[4], (TOTAL_PTS * 2, EMBED), jnp.float32) * 0.01
    bo = jax.random.normal(ks[5], (TOTAL_PTS * 2,), jnp.float32)
    Wa = jax.random.normal(ks[6], (TOTAL_PTS, EMBED), jnp.float32) * 0.02
    ba = jnp.zeros((TOTAL_PTS,), jnp.float32)
    Wout = jax.random.normal(ks[7], (EMBED, EMBED), jnp.float32) * 0.05
    bout = jnp.zeros((EMBED,), jnp.float32)
    return {"query": query, "reference_points": reference_points, "value": value,
            "value_spatial_shapes": SPATIAL, "Wv": Wv, "bv": bv, "Wo": Wo, "bo": bo,
            "Wa": Wa, "ba": ba, "Wout": Wout, "bout": bout}


def grid_sample_bilinear(v, grid):
    # v: [B, C, H, W], grid: [B, Hg, Wg, 2] in [-1, 1]; align_corners=False, zero padding
    B, C, H, W = v.shape
    x = grid[..., 0]
    y = grid[..., 1]
    ix = ((x + 1.0) * W - 1.0) / 2.0
    iy = ((y + 1.0) * H - 1.0) / 2.0
    ix0 = jnp.floor(ix)
    iy0 = jnp.floor(iy)
    vflat = v.reshape(B, C, H * W)

    def gather(ixn, iyn):
        valid = ((ixn >= 0) & (ixn <= W - 1) & (iyn >= 0) & (iyn <= H - 1)).astype(v.dtype)
        ixc = jnp.clip(ixn, 0, W - 1).astype(jnp.int32)
        iyc = jnp.clip(iyn, 0, H - 1).astype(jnp.int32)
        idx = (iyc * W + ixc).reshape(B, 1, -1)
        g = jnp.take_along_axis(vflat, jnp.broadcast_to(idx, (B, C, idx.shape[-1])), axis=2)
        g = g.reshape(B, C, ixn.shape[1], ixn.shape[2])
        return g * valid[:, None, :, :]

    wx1 = ix - ix0
    wx0 = 1.0 - wx1
    wy1 = iy - iy0
    wy0 = 1.0 - wy1
    g00 = gather(ix0, iy0)
    g01 = gather(ix0 + 1.0, iy0)
    g10 = gather(ix0, iy0 + 1.0)
    g11 = gather(ix0 + 1.0, iy0 + 1.0)
    out = (g00 * (wx0 * wy0)[:, None] + g01 * (wx1 * wy0)[:, None]
           + g10 * (wx0 * wy1)[:, None] + g11 * (wx1 * wy1)[:, None])
    return out


def _core(value, spatial_shapes, sampling_locations, attention_weights, num_points_list):
    bs, Lv, H, c = value.shape
    Lq = sampling_locations.shape[1]
    P = sum(num_points_list)
    value_t = jnp.transpose(value, (0, 2, 3, 1)).reshape(bs * H, c, Lv)
    grids = 2.0 * sampling_locations - 1.0
    grids = jnp.transpose(grids, (0, 2, 1, 3, 4)).reshape(bs * H, Lq, P, 2)
    outs = []
    sv = 0
    sp = 0
    for lvl, (h, w) in enumerate(SPATIAL):
        npt = num_points_list[lvl]
        vl = value_t[:, :, sv:sv + h * w].reshape(bs * H, c, h, w)
        gl = grids[:, :, sp:sp + npt, :]
        outs.append(grid_sample_bilinear(vl, gl))
        sv += h * w
        sp += npt
    attn = jnp.transpose(attention_weights, (0, 2, 1, 3)).reshape(bs * H, 1, Lq, P)
    out = (jnp.concatenate(outs, axis=-1) * attn).sum(-1)
    out = out.reshape(bs, H * c, Lq)
    out = jnp.transpose(out, (0, 2, 1))
    shapes_dep = (jnp.asarray(spatial_shapes).astype(out.dtype) * 0.0).sum()
    return out + shapes_dep


def reference(query, reference_points, value, value_spatial_shapes, Wv, bv, Wo, bo, Wa, ba, Wout, bout):
    bs, Lq = query.shape[:2]
    Lv = value.shape[1]
    v = value @ Wv.T + bv
    v = v.reshape(bs, Lv, HEADS, HEAD_DIM)
    so = (query @ Wo.T + bo).reshape(bs, Lq, HEADS, SUM_PTS, 2)
    aw = (query @ Wa.T + ba).reshape(bs, Lq, HEADS, SUM_PTS)
    aw = jax.nn.softmax(aw, axis=-1)
    nps = jnp.array([1.0 / n for n in NUM_POINTS_LIST for _ in range(n)], query.dtype)[:, None]
    offset = so * nps * reference_points[:, :, None, :, 2:] * OFFSET_SCALE
    sampling_locations = reference_points[:, :, None, :, :2] + offset
    out = _core(v, value_spatial_shapes, sampling_locations, aw, NUM_POINTS_LIST)
    return out @ Wout.T + bout

if __name__ == "__main__":
    import jax
    _d = setup_inputs()
    print(jax.jit(kernel)(*tuple(_d.values())))

</pallas_src>

<mosaic_0001>
#map = affine_map<(d0, d1) -> (0, 0)>
#map1 = affine_map<(d0, d1) -> (0, 0, 0)>
module attributes {stable_mosaic.version = 14 : i64} {
  func.func @_gather_body(%arg0: i32, %arg1: i32, %arg2: memref<1392640x32xf32, #tpu.memory_space<hbm>>, %arg3: memref<32x300x128xi32, #tpu.memory_space<hbm>>, %arg4: memref<1228800x32xf32, #tpu.memory_space<hbm>>, %arg5: memref<300x128xi32, #tpu.memory_space<vmem>>, %arg6: memref<128x32xf32, #tpu.memory_space<vmem>>, %arg7: memref<128x32xf32, #tpu.memory_space<vmem>>, %arg8: memref<!tpu.dma_semaphore, #tpu.memory_space<semaphore_mem>>, %arg9: memref<!tpu.dma_semaphore, #tpu.memory_space<semaphore_mem>>) attributes {dimension_semantics = [#tpu.dimension_semantics<core_parallel>, #tpu.dimension_semantics<subcore_parallel>], iteration_bounds = array<i64: 2, 16>, scalar_prefetch = 0 : i64, scratch_operands = 5 : i64, tpu.core_type = #tpu.core_type<sc_vector_subcore>, window_params = [{transform_indices = #map}, {transform_indices = #map1}, {transform_indices = #map}]} {
    %mul3A = arith.constant 2 : i32
    %mul3A_0 = arith.muli %arg1, %mul3A : i32
    %add3A = arith.addi %mul3A_0, %arg0 : i32
    "tpu.region"() ({
      %run_scoped3A = tpu.sem_alloc : memref<!tpu.dma_semaphore, #tpu.memory_space<semaphore_mem>>
      %dma_start3A_14 = arith.constant 0 : i32
      %dma_start3A_15 = arith.constant 0 : i32
      %dma_start3A_16 = tpu.memref_slice %arg3[%add3A, %dma_start3A_14, %dma_start3A_15] : memref<32x300x128xi32, #tpu.memory_space<hbm>> -> memref<1x300x128xi32, #tpu.memory_space<hbm>>
      %dma_start3A_17 = tpu.memref_squeeze %dma_start3A_16 : memref<1x300x128xi32, #tpu.memory_space<hbm>> -> memref<300x128xi32, #tpu.memory_space<hbm>>
      %dma_start3A_18 = arith.constant 0 : i32
      %dma_start3A_19 = arith.constant 0 : i32
      %dma_start3A_20 = tpu.memref_slice %arg3[%add3A, %dma_start3A_18, %dma_start3A_19] : memref<32x300x128xi32, #tpu.memory_space<hbm>> -> memref<1x300x128xi32, #tpu.memory_space<hbm>>
      %dma_start3A_21 = tpu.memref_squeeze %dma_start3A_20 : memref<1x300x128xi32, #tpu.memory_space<hbm>> -> memref<300x128xi32, #tpu.memory_space<hbm>>
      tpu.enqueue_dma source(%dma_start3A_21 : memref<300x128xi32, #tpu.memory_space<hbm>>) target(%arg5 : memref<300x128xi32, #tpu.memory_space<vmem>>) target_semaphore(%run_scoped3A : memref<!tpu.dma_semaphore, #tpu.memory_space<semaphore_mem>>)
      %dma_wait3A = arith.constant 0 : i32
      %dma_wait3A_22 = arith.constant 0 : i32
      %dma_wait3A_23 = tpu.memref_slice %arg3[%add3A, %dma_wait3A, %dma_wait3A_22] : memref<32x300x128xi32, #tpu.memory_space<hbm>> -> memref<1x300x128xi32, #tpu.memory_space<hbm>>
      %dma_wait3A_24 = tpu.memref_squeeze %dma_wait3A_23 : memref<1x300x128xi32, #tpu.memory_space<hbm>> -> memref<300x128xi32, #tpu.memory_space<hbm>>
      %dma_wait3A_25 = arith.constant 0 : i32
      %dma_wait3A_26 = arith.constant 0 : i32
      %dma_wait3A_27 = tpu.memref_slice %arg3[%add3A, %dma_wait3A_25, %dma_wait3A_26] : memref<32x300x128xi32, #tpu.memory_space<hbm>> -> memref<1x300x128xi32, #tpu.memory_space<hbm>>
      %dma_wait3A_28 = tpu.memref_squeeze %dma_wait3A_27 : memref<1x300x128xi32, #tpu.memory_space<hbm>> -> memref<300x128xi32, #tpu.memory_space<hbm>>
      tpu.wait_dma2 semaphore(%run_scoped3A : memref<!tpu.dma_semaphore, #tpu.memory_space<semaphore_mem>>) src(%dma_wait3A_28 : memref<300x128xi32, #tpu.memory_space<hbm>>) dst(%arg5 : memref<300x128xi32, #tpu.memory_space<vmem>>)
      tpu.yield
    }) : () -> ()
    %mul3A_1 = arith.constant 38400 : i32
    %mul3A_2 = arith.muli %add3A, %mul3A_1 : i32
    %dma_start3A = arith.constant 0 : i32
    %dma_start3A_3 = arith.constant 0 : i32
    %dma_start3A_4 = tpu.memref_slice %arg5[%dma_start3A, %dma_start3A_3] : memref<300x128xi32, #tpu.memory_space<vmem>> -> memref<1x128xi32, #tpu.memory_space<vmem>>
    %dma_start3A_5 = tpu.memref_squeeze %dma_start3A_4 : memref<1x128xi32, #tpu.memory_space<vmem>> -> memref<128xi32, #tpu.memory_space<vmem>>
    %dma_start3A_6 = arith.constant 0 : i32
    %dma_start3A_7 = arith.constant 0 : i32
    %dma_start3A_8 = tpu.memref_slice %arg2[%dma_start3A_6, %dma_start3A_7] : memref<1392640x32xf32, #tpu.memory_space<hbm>> -> memref<1392640x32xf32, #tpu.memory_space<hbm>>
    tpu.enqueue_indirect_dma source(%dma_start3A_8 : memref<1392640x32xf32, #tpu.memory_space<hbm>>) target(%arg6 : memref<128x32xf32, #tpu.memory_space<vmem>>) offsets(%dma_start3A_5 : memref<128xi32, #tpu.memory_space<vmem>>) semaphore(%arg8 : memref<!tpu.dma_semaphore, #tpu.memory_space<semaphore_mem>>)
    %scan3A = arith.constant 0 : i32
    %scan3A_9 = arith.constant 0 : i32
    %scan3A_10 = arith.constant 150 : i32
    %scan3A_11 = arith.addi %scan3A_9, %scan3A_10 : i32
    %scan3A_12 = arith.constant 1 : i32
    scf.for %scan3A_14 = %scan3A_9 to %scan3A_11 step %scan3A_12  : i32 {
      %mul3A_15 = arith.constant 2 : i32
      %mul3A_16 = arith.muli %mul3A_15, %scan3A_14 : i32
      %dma_wait3A = arith.constant 0 : i32
      %dma_wait3A_17 = tpu.memref_slice %arg5[%mul3A_16, %dma_wait3A] : memref<300x128xi32, #tpu.memory_space<vmem>> -> memref<1x128xi32, #tpu.memory_space<vmem>>
      %dma_wait3A_18 = tpu.memref_squeeze %dma_wait3A_17 : memref<1x128xi32, #tpu.memory_space<vmem>> -> memref<128xi32, #tpu.memory_space<vmem>>
      %dma_wait3A_19 = arith.constant 0 : i32
      %dma_wait3A_20 = arith.constant 0 : i32
      %dma_wait3A_21 = tpu.memref_slice %arg2[%dma_wait3A_19, %dma_wait3A_20] : memref<1392640x32xf32, #tpu.memory_space<hbm>> -> memref<1392640x32xf32, #tpu.memory_space<hbm>>
      tpu.wait_indirect_dma semaphore(%arg8 : memref<!tpu.dma_semaphore, #tpu.memory_space<semaphore_mem>>) src(%dma_wait3A_21 : memref<1392640x32xf32, #tpu.memory_space<hbm>>) dst(%arg6 : memref<128x32xf32, #tpu.memory_space<vmem>>)
      %add3A_22 = arith.constant 1 : i32
      %add3A_23 = arith.addi %mul3A_16, %add3A_22 : i32
      %dma_start3A_24 = arith.constant 0 : i32
      %dma_start3A_25 = tpu.memref_slice %arg5[%add3A_23, %dma_start3A_24] : memref<300x128xi32, #tpu.memory_space<vmem>> -> memref<1x128xi32, #tpu.memory_space<vmem>>
      %dma_start3A_26 = tpu.memref_squeeze %dma_start3A_25 : memref<1x128xi32, #tpu.memory_space<vmem>> -> memref<128xi32, #tpu.memory_space<vmem>>
      %dma_start3A_27 = arith.constant 0 : i32
      %dma_start3A_28 = arith.constant 0 : i32
      %dma_start3A_29 = tpu.memref_slice %arg2[%dma_start3A_27, %dma_start3A_28] : memref<1392640x32xf32, #tpu.memory_space<hbm>> -> memref<1392640x32xf32, #tpu.memory_space<hbm>>
      tpu.enqueue_indirect_dma source(%dma_start3A_29 : memref<1392640x32xf32, #tpu.memory_space<hbm>>) target(%arg7 : memref<128x32xf32, #tpu.memory_space<vmem>>) offsets(%dma_start3A_26 : memref<128xi32, #tpu.memory_space<vmem>>) semaphore(%arg9 : memref<!tpu.dma_semaphore, #tpu.memory_space<semaphore_mem>>)
      %mul3A_30 = arith.constant 128 : i32
      %mul3A_31 = arith.muli %mul3A_16, %mul3A_30 : i32
      %add3A_32 = arith.addi %mul3A_2, %mul3A_31 : i32
      "tpu.region"() ({
        %run_scoped3A = tpu.sem_alloc : memref<!tpu.dma_semaphore, #tpu.memory_space<semaphore_mem>>
        %dma_start3A_48 = arith.constant 0 : i32
        %dma_start3A_49 = tpu.memref_slice %arg4[%add3A_32, %dma_start3A_48] : memref<1228800x32xf32, #tpu.memory_space<hbm>> -> memref<128x32xf32, #tpu.memory_space<hbm>>
        %dma_start3A_50 = arith.constant 0 : i32
        %dma_start3A_51 = tpu.memref_slice %arg4[%add3A_32, %dma_start3A_50] : memref<1228800x32xf32, #tpu.memory_space<hbm>> -> memref<128x32xf32, #tpu.memory_space<hbm>>
        tpu.enqueue_dma source(%arg6 : memref<128x32xf32, #tpu.memory_space<vmem>>) target(%dma_start3A_51 : memref<128x32xf32, #tpu.memory_space<hbm>>) target_semaphore(%run_scoped3A : memref<!tpu.dma_semaphore, #tpu.memory_space<semaphore_mem>>)
        %dma_wait3A_52 = arith.constant 0 : i32
        %dma_wait3A_53 = tpu.memref_slice %arg4[%add3A_32, %dma_wait3A_52] : memref<1228800x32xf32, #tpu.memory_space<hbm>> -> memref<128x32xf32, #tpu.memory_space<hbm>>
        %dma_wait3A_54 = arith.constant 0 : i32
        %dma_wait3A_55 = tpu.memref_slice %arg4[%add3A_32, %dma_wait3A_54] : memref<1228800x32xf32, #tpu.memory_space<hbm>> -> memref<128x32xf32, #tpu.memory_space<hbm>>
        tpu.wait_dma2 semaphore(%run_scoped3A : memref<!tpu.dma_semaphore, #tpu.memory_space<semaphore_mem>>) src(%arg6 : memref<128x32xf32, #tpu.memory_space<vmem>>) dst(%dma_wait3A_55 : memref<128x32xf32, #tpu.memory_space<hbm>>)
        tpu.yield
      }) : () -> ()
      %add3A_33 = arith.constant 1 : i32
      %add3A_34 = arith.addi %mul3A_16, %add3A_33 : i32
      %dma_wait3A_35 = arith.constant 0 : i32
      %dma_wait3A_36 = tpu.memref_slice %arg5[%add3A_34, %dma_wait3A_35] : memref<300x128xi32, #tpu.memory_space<vmem>> -> memref<1x128xi32, #tpu.memory_space<vmem>>
      %dma_wait3A_37 = tpu.memref_squeeze %dma_wait3A_36 : memref<1x128xi32, #tpu.memory_space<vmem>> -> memref<128xi32, #tpu.memory_space<vmem>>
      %dma_wait3A_38 = arith.constant 0 : i32
      %dma_wait3A_39 = arith.constant 0 : i32
      %dma_wait3A_40 = tpu.memref_slice %arg2[%dma_wait3A_38, %dma_wait3A_39] : memref<1392640x32xf32, #tpu.memory_space<hbm>> -> memref<1392640x32xf32, #tpu.memory_space<hbm>>
      tpu.wait_indirect_dma semaphore(%arg9 : memref<!tpu.dma_semaphore, #tpu.memory_space<semaphore_mem>>) src(%dma_wait3A_40 : memref<1392640x32xf32, #tpu.memory_space<hbm>>) dst(%arg7 : memref<128x32xf32, #tpu.memory_space<vmem>>)
      %lt3A = arith.constant 149 : i32
      %lt3A_41 = arith.cmpi slt, %scan3A_14, %lt3A : i32
      %convert_element_type3A = arith.extui %lt3A_41 : i1 to i32
      %cond3A = arith.constant 0 : i32
      %cond3A_42 = arith.cmpi ne, %convert_element_type3A, %cond3A : i32
      scf.if %cond3A_42 {
        %add3A_48 = arith.constant 2 : i32
        %add3A_49 = arith.addi %mul3A_16, %add3A_48 : i32
        %dma_start3A_50 = arith.constant 0 : i32
        %dma_start3A_51 = tpu.memref_slice %arg5[%add3A_49, %dma_start3A_50] : memref<300x128xi32, #tpu.memory_space<vmem>> -> memref<1x128xi32, #tpu.memory_space<vmem>>
        %dma_start3A_52 = tpu.memref_squeeze %dma_start3A_51 : memref<1x128xi32, #tpu.memory_space<vmem>> -> memref<128xi32, #tpu.memory_space<vmem>>
        %dma_start3A_53 = arith.constant 0 : i32
        %dma_start3A_54 = arith.constant 0 : i32
        %dma_start3A_55 = tpu.memref_slice %arg2[%dma_start3A_53, %dma_start3A_54] : memref<1392640x32xf32, #tpu.memory_space<hbm>> -> memref<1392640x32xf32, #tpu.memory_space<hbm>>
        tpu.enqueue_indirect_dma source(%dma_start3A_55 : memref<1392640x32xf32, #tpu.memory_space<hbm>>) target(%arg6 : memref<128x32xf32, #tpu.memory_space<vmem>>) offsets(%dma_start3A_52 : memref<128xi32, #tpu.memory_space<vmem>>) semaphore(%arg8 : memref<!tpu.dma_semaphore, #tpu.memory_space<semaphore_mem>>)
      } else {
      }
      %add3A_43 = arith.constant 1 : i32
      %add3A_44 = arith.addi %mul3A_16, %add3A_43 : i32
      %mul3A_45 = arith.constant 128 : i32
      %mul3A_46 = arith.muli %add3A_44, %mul3A_45 : i32
      %add3A_47 = arith.addi %mul3A_2, %mul3A_46 : i32
      "tpu.region"() ({
        %run_scoped3A = tpu.sem_alloc : memref<!tpu.dma_semaphore, #tpu.memory_space<semaphore_mem>>
        %dma_start3A_48 = arith.constant 0 : i32
        %dma_start3A_49 = tpu.memref_slice %arg4[%add3A_47, %dma_start3A_48] : memref<1228800x32xf32, #tpu.memory_space<hbm>> -> memref<128x32xf32, #tpu.memory_space<hbm>>
        %dma_start3A_50 = arith.constant 0 : i32
        %dma_start3A_51 = tpu.memref_slice %arg4[%add3A_47, %dma_start3A_50] : memref<1228800x32xf32, #tpu.memory_space<hbm>> -> memref<128x32xf32, #tpu.memory_space<hbm>>
        tpu.enqueue_dma source(%arg7 : memref<128x32xf32, #tpu.memory_space<vmem>>) target(%dma_start3A_51 : memref<128x32xf32, #tpu.memory_space<hbm>>) target_semaphore(%run_scoped3A : memref<!tpu.dma_semaphore, #tpu.memory_space<semaphore_mem>>)
        %dma_wait3A_52 = arith.constant 0 : i32
        %dma_wait3A_53 = tpu.memref_slice %arg4[%add3A_47, %dma_wait3A_52] : memref<1228800x32xf32, #tpu.memory_space<hbm>> -> memref<128x32xf32, #tpu.memory_space<hbm>>
        %dma_wait3A_54 = arith.constant 0 : i32
        %dma_wait3A_55 = tpu.memref_slice %arg4[%add3A_47, %dma_wait3A_54] : memref<1228800x32xf32, #tpu.memory_space<hbm>> -> memref<128x32xf32, #tpu.memory_space<hbm>>
        tpu.wait_dma2 semaphore(%run_scoped3A : memref<!tpu.dma_semaphore, #tpu.memory_space<semaphore_mem>>) src(%arg7 : memref<128x32xf32, #tpu.memory_space<vmem>>) dst(%dma_wait3A_55 : memref<128x32xf32, #tpu.memory_space<hbm>>)
        tpu.yield
      }) : () -> ()
    }
    %scan3A_13 = arith.constant 150 : i32
    return
  }
}

module attributes {stable_mosaic.version = 14 : i64} {
  func.func @_vproj_body(%arg0: i32, %arg1: i32, %arg2: memref<1x1280x256xf32, #tpu.memory_space<vmem>>, %arg3: memref<256x256xf32, #tpu.memory_space<vmem>>, %arg4: memref<1x256xf32, #tpu.memory_space<vmem>>, %arg5: memref<1x1280x256xf32, #tpu.memory_space<vmem>>) attributes {dimension_semantics = [#tpu.dimension_semantics<arbitrary>, #tpu.dimension_semantics<arbitrary>], iteration_bounds = array<i64: 8, 17>, scalar_prefetch = 0 : i64, scratch_operands = 0 : i64, tpu.core_type = #tpu.core_type<tc>, window_params = [{transform_indices = @transform_0, window_bounds = array<i64: 1, 1280, 256>}, {pipeline_mode = #tpu.pipeline_mode<synchronous>, transform_indices = @transform_1, window_bounds = array<i64: 256, 256>}, {pipeline_mode = #tpu.pipeline_mode<synchronous>, transform_indices = @transform_2, window_bounds = array<i64: 1, 256>}, {transform_indices = @transform_3, window_bounds = array<i64: 1, 1280, 256>}]} {
    %get3A = arith.constant 0 : index
    %get3A_0 = arith.constant 0 : index
    %get3A_1 = arith.constant 0 : index
    %get3A_2 = vector.load %arg2[%get3A, %get3A_0, %get3A_1] : memref<1x1280x256xf32, #tpu.memory_space<vmem>>, vector<1x1280x256xf32>
    %get3A_3 = vector.shape_cast %get3A_2 : vector<1x1280x256xf32> to vector<1280x256xf32>
    %get3A_4 = arith.constant 0 : index
    %get3A_5 = arith.constant 0 : index
    %get3A_6 = vector.load %arg3[%get3A_4, %get3A_5] : memref<256x256xf32, #tpu.memory_space<vmem>>, vector<256x256xf32>
    %dot_general3A = arith.constant dense<0.000000e+00> : vector<1280x256xf32>
    %dot_general3A_7 = tpu.matmul %get3A_3, %get3A_6, %dot_general3A {dimension_numbers = #tpu.dot_dimension_numbers<[1], [0], [0], [1], [0, 0, 1, 1], [], []>, transpose_lhs_hint = false} : vector<1280x256xf32>, vector<256x256xf32>, vector<1280x256xf32> -> vector<1280x256xf32>
    %get3A_8 = arith.constant 0 : index
    %get3A_9 = arith.constant 0 : index
    %get3A_10 = vector.load %arg4[%get3A_8, %get3A_9] : memref<1x256xf32, #tpu.memory_space<vmem>>, vector<1x256xf32>
    %add3A = vector.broadcast %get3A_10 : vector<1x256xf32> to vector<1280x256xf32>
    %add3A_11 = arith.addf %dot_general3A_7, %add3A : vector<1280x256xf32>
    %swap3A = arith.constant 0 : index
    %swap3A_12 = arith.constant 0 : index
    %swap3A_13 = arith.constant 0 : index
    %swap3A_14 = vector.load %arg5[%swap3A, %swap3A_12, %swap3A_13] : memref<1x1280x256xf32, #tpu.memory_space<vmem>>, vector<1x1280x256xf32>
    %swap3A_15 = vector.shape_cast %swap3A_14 : vector<1x1280x256xf32> to vector<1280x256xf32>
    %swap3A_16 = vector.shape_cast %add3A_11 : vector<1280x256xf32> to vector<1x1280x256xf32>
    tpu.vector_store %arg5[%swap3A, %swap3A_12, %swap3A_13], %swap3A_16 {strides = array<i32>} : memref<1x1280x256xf32, #tpu.memory_space<vmem>>, vector<1x1280x256xf32>,
    return
  }
  func.func @transform_0(%arg0: i32, %arg1: i32) -> (i32, i32, i32) {
    %c0_i32 = arith.constant 0 : i32
    %c0_i32_0 = arith.constant 0 : i32
    return %arg0, %arg1, %c0_i32 : i32, i32, i32
  }
  func.func @transform_1(%arg0: i32, %arg1: i32) -> (i32, i32) {
    %c0_i32 = arith.constant 0 : i32
    %c0_i32_0 = arith.constant 0 : i32
    %c0_i32_1 = arith.constant 0 : i32
    return %c0_i32, %c0_i32_0 : i32, i32
  }
  func.func @transform_2(%arg0: i32, %arg1: i32) -> (i32, i32) {
    %c0_i32 = arith.constant 0 : i32
    %c0_i32_0 = arith.constant 0 : i32
    %c0_i32_1 = arith.constant 0 : i32
    return %c0_i32, %c0_i32_0 : i32, i32
  }
  func.func @transform_3(%arg0: i32, %arg1: i32) -> (i32, i32, i32) {
    %c0_i32 = arith.constant 0 : i32
    %c0_i32_0 = arith.constant 0 : i32
    return %arg0, %arg1, %c0_i32 : i32, i32, i32
  }
}

module attributes {stable_mosaic.version = 14 : i64} {
  func.func @_idx_body(%arg0: i32, %arg1: i32, %arg2: memref<1x256x300xf32, #tpu.memory_space<vmem>>, %arg3: memref<1x4x300xf32, #tpu.memory_space<vmem>>, %arg4: memref<1x16x256xf32, #tpu.memory_space<vmem>>, %arg5: memref<1x16x1xf32, #tpu.memory_space<vmem>>, %arg6: memref<1x16x256xf32, #tpu.memory_space<vmem>>, %arg7: memref<1x16x1xf32, #tpu.memory_space<vmem>>, %arg8: memref<1x16x256xf32, #tpu.memory_space<vmem>>, %arg9: memref<1x16x1xf32, #tpu.memory_space<vmem>>, %arg10: memref<16x3xf32, #tpu.memory_space<vmem>>, %arg11: memref<1x1x64x300xi32, #tpu.memory_space<vmem>>, %arg12: memref<1x1x64x300xf32, #tpu.memory_space<vmem>>) attributes {dimension_semantics = [#tpu.dimension_semantics<arbitrary>, #tpu.dimension_semantics<arbitrary>], iteration_bounds = array<i64: 8, 8>, scalar_prefetch = 0 : i64, scratch_operands = 0 : i64, tpu.core_type = #tpu.core_type<tc>, window_params = [{transform_indices = @transform_0, window_bounds = array<i64: 1, 256, 300>}, {transform_indices = @transform_1, window_bounds = array<i64: 1, 4, 300>}, {transform_indices = @transform_2, window_bounds = array<i64: 1, 16, 256>}, {transform_indices = @transform_3, window_bounds = array<i64: 1, 16, 1>}, {transform_indices = @transform_4, window_bounds = array<i64: 1, 16, 256>}, {transform_indices = @transform_5, window_bounds = array<i64: 1, 16, 1>}, {transform_indices = @transform_6, window_bounds = array<i64: 1, 16, 256>}, {transform_indices = @transform_7, window_bounds = array<i64: 1, 16, 1>}, {pipeline_mode = #tpu.pipeline_mode<synchronous>, transform_indices = @transform_8, window_bounds = array<i64: 16, 3>}, {transform_indices = @transform_9, window_bounds = array<i64: 1, 1, 64, 300>}, {transform_indices = @transform_10, window_bounds = array<i64: 1, 1, 64, 300>}]} {
    %get3A = arith.constant 0 : index
    %get3A_0 = arith.constant 0 : index
    %get3A_1 = arith.constant 0 : index
    %get3A_2 = vector.load %arg2[%get3A, %get3A_0, %get3A_1] : memref<1x256x300xf32, #tpu.memory_space<vmem>>, vector<1x256x300xf32>
    %get3A_3 = vector.shape_cast %get3A_2 : vector<1x256x300xf32> to vector<256x300xf32>
    %get3A_4 = arith.constant 0 : index
    %get3A_5 = arith.constant 0 : index
    %get3A_6 = arith.constant 0 : index
    %get3A_7 = vector.load %arg4[%get3A_4, %get3A_5, %get3A_6] : memref<1x16x256xf32, #tpu.memory_space<vmem>>, vector<1x16x256xf32>
    %get3A_8 = vector.shape_cast %get3A_7 : vector<1x16x256xf32> to vector<16x256xf32>
    %dot_general3A = arith.constant dense<0.000000e+00> : vector<16x300xf32>
    %dot_general3A_9 = tpu.matmul %get3A_8, %get3A_3, %dot_general3A {dimension_numbers = #tpu.dot_dimension_numbers<[1], [0], [0], [1], [0, 0, 1, 1], [], []>, transpose_lhs_hint = false} : vector<16x256xf32>, vector<256x300xf32>, vector<16x300xf32> -> vector<16x300xf32>
    %get3A_10 = arith.constant 0 : index
    %get3A_11 = arith.constant 0 : index
    %get3A_12 = arith.constant 0 : index
    %get3A_13 = vector.load %arg5[%get3A_10, %get3A_11, %get3A_12] : memref<1x16x1xf32, #tpu.memory_space<vmem>>, vector<1x16x1xf32>
    %get3A_14 = vector.shape_cast %get3A_13 : vector<1x16x1xf32> to vector<16x1xf32>
    %add3A = vector.broadcast %get3A_14 : vector<16x1xf32> to vector<16x300xf32>
    %add3A_15 = arith.addf %dot_general3A_9, %add3A : vector<16x300xf32>
    %reduce_max3A = arith.constant dense<0xFF800000> : vector<300xf32>
    %reduce_max3A_16 = vector.multi_reduction <maximumf>, %add3A_15, %reduce_max3A [0] : vector<16x300xf32> to vector<300xf32>
    %broadcast_in_dim3A = vector.shape_cast %reduce_max3A_16 : vector<300xf32> to vector<1x300xf32>
    %sub3A = vector.broadcast %broadcast_in_dim3A : vector<1x300xf32> to vector<16x300xf32>
    %sub3A_17 = arith.subf %add3A_15, %sub3A : vector<16x300xf32>
    %exp3A = math.exp %sub3A_17 : vector<16x300xf32>
    %reduce_sum3A = arith.constant dense<0.000000e+00> : vector<300xf32>
    %reduce_sum3A_18 = vector.multi_reduction <add>, %exp3A, %reduce_sum3A [0] : vector<16x300xf32> to vector<300xf32>
    %broadcast_in_dim3A_19 = vector.shape_cast %reduce_sum3A_18 : vector<300xf32> to vector<1x300xf32>
    %div3A = vector.broadcast %broadcast_in_dim3A_19 : vector<1x300xf32> to vector<16x300xf32>
    %div3A_20 = arith.divf %exp3A, %div3A : vector<16x300xf32>
    %get3A_21 = arith.constant 0 : index
    %get3A_22 = arith.constant 0 : index
    %get3A_23 = arith.constant 0 : index
    %get3A_24 = vector.load %arg6[%get3A_21, %get3A_22, %get3A_23] : memref<1x16x256xf32, #tpu.memory_space<vmem>>, vector<1x16x256xf32>
    %get3A_25 = vector.shape_cast %get3A_24 : vector<1x16x256xf32> to vector<16x256xf32>
    %dot_general3A_26 = arith.constant dense<0.000000e+00> : vector<16x300xf32>
    %dot_general3A_27 = tpu.matmul %get3A_25, %get3A_3, %dot_general3A_26 {dimension_numbers = #tpu.dot_dimension_numbers<[1], [0], [0], [1], [0, 0, 1, 1], [], []>, transpose_lhs_hint = false} : vector<16x256xf32>, vector<256x300xf32>, vector<16x300xf32> -> vector<16x300xf32>
    %get3A_28 = arith.constant 0 : index
    %get3A_29 = arith.constant 0 : index
    %get3A_30 = arith.constant 0 : index
    %get3A_31 = vector.load %arg7[%get3A_28, %get3A_29, %get3A_30] : memref<1x16x1xf32, #tpu.memory_space<vmem>>, vector<1x16x1xf32>
    %get3A_32 = vector.shape_cast %get3A_31 : vector<1x16x1xf32> to vector<16x1xf32>
    %add3A_33 = vector.broadcast %get3A_32 : vector<16x1xf32> to vector<16x300xf32>
    %add3A_34 = arith.addf %dot_general3A_27, %add3A_33 : vector<16x300xf32>
    %get3A_35 = arith.constant 0 : index
    %get3A_36 = arith.constant 0 : index
    %get3A_37 = arith.constant 0 : index
    %get3A_38 = vector.load %arg8[%get3A_35, %get3A_36, %get3A_37] : memref<1x16x256xf32, #tpu.memory_space<vmem>>, vector<1x16x256xf32>
    %get3A_39 = vector.shape_cast %get3A_38 : vector<1x16x256xf32> to vector<16x256xf32>
    %dot_general3A_40 = arith.constant dense<0.000000e+00> : vector<16x300xf32>
    %dot_general3A_41 = tpu.matmul %get3A_39, %get3A_3, %dot_general3A_40 {dimension_numbers = #tpu.dot_dimension_numbers<[1], [0], [0], [1], [0, 0, 1, 1], [], []>, transpose_lhs_hint = false} : vector<16x256xf32>, vector<256x300xf32>, vector<16x300xf32> -> vector<16x300xf32>
    %get3A_42 = arith.constant 0 : index
    %get3A_43 = arith.constant 0 : index
    %get3A_44 = arith.constant 0 : index
    %get3A_45 = vector.load %arg9[%get3A_42, %get3A_43, %get3A_44] : memref<1x16x1xf32, #tpu.memory_space<vmem>>, vector<1x16x1xf32>
    %get3A_46 = vector.shape_cast %get3A_45 : vector<1x16x1xf32> to vector<16x1xf32>
    %add3A_47 = vector.broadcast %get3A_46 : vector<16x1xf32> to vector<16x300xf32>
    %add3A_48 = arith.addf %dot_general3A_41, %add3A_47 : vector<16x300xf32>
    %get3A_49 = arith.constant 0 : index
    %get3A_50 = arith.constant 0 : index
    %get3A_51 = arith.constant 0 : index
    %get3A_52 = vector.load %arg3[%get3A_49, %get3A_50, %get3A_51] : memref<1x4x300xf32, #tpu.memory_space<vmem>>, vector<1x1x300xf32>
    %get3A_53 = vector.shape_cast %get3A_52 : vector<1x1x300xf32> to vector<1x300xf32>
    %get3A_54 = arith.constant 0 : index
    %get3A_55 = arith.constant 1 : index
    %get3A_56 = arith.constant 0 : index
    %get3A_57 = vector.load %arg3[%get3A_54, %get3A_55, %get3A_56] : memref<1x4x300xf32, #tpu.memory_space<vmem>>, vector<1x1x300xf32>
    %get3A_58 = vector.shape_cast %get3A_57 : vector<1x1x300xf32> to vector<1x300xf32>
    %get3A_59 = arith.constant 0 : index
    %get3A_60 = arith.constant 2 : index
    %get3A_61 = arith.constant 0 : index
    %get3A_62 = vector.load %arg3[%get3A_59, %get3A_60, %get3A_61] : memref<1x4x300xf32, #tpu.memory_space<vmem>>, vector<1x1x300xf32>
    %get3A_63 = vector.shape_cast %get3A_62 : vector<1x1x300xf32> to vector<1x300xf32>
    %get3A_64 = arith.constant 0 : index
    %get3A_65 = arith.constant 3 : index
    %get3A_66 = arith.constant 0 : index
    %get3A_67 = vector.load %arg3[%get3A_64, %get3A_65, %get3A_66] : memref<1x4x300xf32, #tpu.memory_space<vmem>>, vector<1x1x300xf32>
    %get3A_68 = vector.shape_cast %get3A_67 : vector<1x1x300xf32> to vector<1x300xf32>
    %get3A_69 = arith.constant 0 : index
    %get3A_70 = arith.constant 0 : index
    %get3A_71 = vector.load %arg10[%get3A_69, %get3A_70] : memref<16x3xf32, #tpu.memory_space<vmem>>, vector<16x1xf32>
    %get3A_72 = arith.constant 0 : index
    %get3A_73 = arith.constant 1 : index
    %get3A_74 = vector.load %arg10[%get3A_72, %get3A_73] : memref<16x3xf32, #tpu.memory_space<vmem>>, vector<16x1xf32>
    %get3A_75 = arith.constant 0 : index
    %get3A_76 = arith.constant 2 : index
    %get3A_77 = vector.load %arg10[%get3A_75, %get3A_76] : memref<16x3xf32, #tpu.memory_space<vmem>>, vector<16x1xf32>
    %mul3A = arith.constant 1.250000e-01 : f32
    %mul3A_78 = vector.broadcast %mul3A : f32 to vector<16x300xf32>
    %mul3A_79 = arith.mulf %add3A_34, %mul3A_78 : vector<16x300xf32>
    %mul3A_80 = vector.broadcast %get3A_63 : vector<1x300xf32> to vector<16x300xf32>
    %mul3A_81 = arith.mulf %mul3A_79, %mul3A_80 : vector<16x300xf32>
    %add3A_82 = vector.broadcast %get3A_53 : vector<1x300xf32> to vector<16x300xf32>
    %add3A_83 = arith.addf %add3A_82, %mul3A_81 : vector<16x300xf32>
    %mul3A_84 = vector.broadcast %get3A_71 : vector<16x1xf32> to vector<16x300xf32>
    %mul3A_85 = arith.mulf %add3A_83, %mul3A_84 : vector<16x300xf32>
    %sub3A_86 = arith.constant 5.000000e-01 : f32
    %sub3A_87 = vector.broadcast %sub3A_86 : f32 to vector<16x300xf32>
    %sub3A_88 = arith.subf %mul3A_85, %sub3A_87 : vector<16x300xf32>
    %mul3A_89 = arith.constant 1.250000e-01 : f32
    %mul3A_90 = vector.broadcast %mul3A_89 : f32 to vector<16x300xf32>
    %mul3A_91 = arith.mulf %add3A_48, %mul3A_90 : vector<16x300xf32>
    %mul3A_92 = vector.broadcast %get3A_68 : vector<1x300xf32> to vector<16x300xf32>
    %mul3A_93 = arith.mulf %mul3A_91, %mul3A_92 : vector<16x300xf32>
    %add3A_94 = vector.broadcast %get3A_58 : vector<1x300xf32> to vector<16x300xf32>
    %add3A_95 = arith.addf %add3A_94, %mul3A_93 : vector<16x300xf32>
    %mul3A_96 = vector.broadcast %get3A_74 : vector<16x1xf32> to vector<16x300xf32>
    %mul3A_97 = arith.mulf %add3A_95, %mul3A_96 : vector<16x300xf32>
    %sub3A_98 = arith.constant 5.000000e-01 : f32
    %sub3A_99 = vector.broadcast %sub3A_98 : f32 to vector<16x300xf32>
    %sub3A_100 = arith.subf %mul3A_97, %sub3A_99 : vector<16x300xf32>
    %floor3A = math.floor %sub3A_88 : vector<16x300xf32>
    %floor3A_101 = math.floor %sub3A_100 : vector<16x300xf32>
    %sub3A_102 = arith.subf %sub3A_88, %floor3A : vector<16x300xf32>
    %sub3A_103 = arith.subf %sub3A_100, %floor3A_101 : vector<16x300xf32>
    %mul3A_104 = arith.constant 174080 : i32
    %mul3A_105 = arith.muli %arg0, %mul3A_104 : i32
    %add3A_106 = arith.addi %mul3A_105, %arg1 : i32
    %add3A_107 = arith.constant 0.000000e+00 : f32
    %add3A_108 = vector.broadcast %add3A_107 : f32 to vector<16x300xf32>
    %add3A_109 = arith.addf %floor3A, %add3A_108 : vector<16x300xf32>
    %add3A_110 = arith.constant 0.000000e+00 : f32
    %add3A_111 = vector.broadcast %add3A_110 : f32 to vector<16x300xf32>
    %add3A_112 = arith.addf %floor3A_101, %add3A_111 : vector<16x300xf32>
    %ge3A = arith.constant 0.000000e+00 : f32
    %ge3A_113 = vector.broadcast %ge3A : f32 to vector<16x300xf32>
    %ge3A_114 = arith.cmpf oge, %add3A_109, %ge3A_113 : vector<16x300xf32>
    %sub3A_115 = arith.constant 1.000000e+00 : f32
    %sub3A_116 = vector.broadcast %sub3A_115 : f32 to vector<16x1xf32>
    %sub3A_117 = arith.subf %get3A_71, %sub3A_116 : vector<16x1xf32>
    %le3A = vector.broadcast %sub3A_117 : vector<16x1xf32> to vector<16x300xf32>
    %le3A_118 = arith.cmpf ole, %add3A_109, %le3A : vector<16x300xf32>
    %and3A = arith.andi %ge3A_114, %le3A_118 : vector<16x300xi1>
    %ge3A_119 = arith.constant 0.000000e+00 : f32
    %ge3A_120 = vector.broadcast %ge3A_119 : f32 to vector<16x300xf32>
    %ge3A_121 = arith.cmpf oge, %add3A_112, %ge3A_120 : vector<16x300xf32>
    %and3A_122 = arith.andi %and3A, %ge3A_121 : vector<16x300xi1>
    %sub3A_123 = arith.constant 1.000000e+00 : f32
    %sub3A_124 = vector.broadcast %sub3A_123 : f32 to vector<16x1xf32>
    %sub3A_125 = arith.subf %get3A_74, %sub3A_124 : vector<16x1xf32>
    %le3A_126 = vector.broadcast %sub3A_125 : vector<16x1xf32> to vector<16x300xf32>
    %le3A_127 = arith.cmpf ole, %add3A_112, %le3A_126 : vector<16x300xf32>
    %and3A_128 = arith.andi %and3A_122, %le3A_127 : vector<16x300xi1>
    %sub3A_129 = arith.constant 1.000000e+00 : f32
    %sub3A_130 = vector.broadcast %sub3A_129 : f32 to vector<16x1xf32>
    %sub3A_131 = arith.subf %get3A_71, %sub3A_130 : vector<16x1xf32>
    %jit3A = arith.constant 0.000000e+00 : f32
    %max3A = vector.broadcast %jit3A : f32 to vector<16x300xf32>
    %max3A_132 = arith.maximumf %max3A, %add3A_109 : vector<16x300xf32>
    %min3A = vector.broadcast %sub3A_131 : vector<16x1xf32> to vector<16x300xf32>
    %min3A_133 = arith.minimumf %min3A, %max3A_132 : vector<16x300xf32>
    %sub3A_134 = arith.constant 1.000000e+00 : f32
    %sub3A_135 = vector.broadcast %sub3A_134 : f32 to vector<16x1xf32>
    %sub3A_136 = arith.subf %get3A_74, %sub3A_135 : vector<16x1xf32>
    %jit3A_137 = arith.constant 0.000000e+00 : f32
    %max3A_138 = vector.broadcast %jit3A_137 : f32 to vector<16x300xf32>
    %max3A_139 = arith.maximumf %max3A_138, %add3A_112 : vector<16x300xf32>
    %min3A_140 = vector.broadcast %sub3A_136 : vector<16x1xf32> to vector<16x300xf32>
    %min3A_141 = arith.minimumf %min3A_140, %max3A_139 : vector<16x300xf32>
    %mul3A_142 = vector.broadcast %get3A_71 : vector<16x1xf32> to vector<16x300xf32>
    %mul3A_143 = arith.mulf %min3A_141, %mul3A_142 : vector<16x300xf32>
    %add3A_144 = vector.broadcast %get3A_77 : vector<16x1xf32> to vector<16x300xf32>
    %add3A_145 = arith.addf %add3A_144, %mul3A_143 : vector<16x300xf32>
    %add3A_146 = arith.addf %add3A_145, %min3A_133 : vector<16x300xf32>
    %convert_element_type3A = arith.fptosi %add3A_146 : vector<16x300xf32> to vector<16x300xi32>
    %mul3A_147 = arith.constant 8 : i32
    %mul3A_148 = vector.broadcast %mul3A_147 : i32 to vector<16x300xi32>
    %mul3A_149 = arith.muli %convert_element_type3A, %mul3A_148 : vector<16x300xi32>
    %add3A_150 = vector.broadcast %add3A_106 : i32 to vector<16x300xi32>
    %add3A_151 = arith.addi %mul3A_149, %add3A_150 : vector<16x300xi32>
    %sub3A_152 = arith.constant 1.000000e+00 : f32
    %sub3A_153 = vector.broadcast %sub3A_152 : f32 to vector<16x300xf32>
    %sub3A_154 = arith.subf %sub3A_153, %sub3A_102 : vector<16x300xf32>
    %sub3A_155 = arith.constant 1.000000e+00 : f32
    %sub3A_156 = vector.broadcast %sub3A_155 : f32 to vector<16x300xf32>
    %sub3A_157 = arith.subf %sub3A_156, %sub3A_103 : vector<16x300xf32>
    %mul3A_158 = arith.mulf %sub3A_154, %sub3A_157 : vector<16x300xf32>
    %mul3A_159 = arith.mulf %mul3A_158, %div3A_20 : vector<16x300xf32>
    %jit3A_160 = arith.constant 0.000000e+00 : f32
    %broadcast_in_dim3A_161 = vector.broadcast %jit3A_160 : f32 to vector<16x300xf32>
    %select_n3A = arith.select %and3A_128, %mul3A_159, %broadcast_in_dim3A_161 : vector<16x300xi1>, vector<16x300xf32>
    %swap3A = arith.constant 0 : index
    %swap3A_162 = arith.constant 0 : index
    %swap3A_163 = arith.constant 0 : index
    %swap3A_164 = arith.constant 0 : index
    %swap3A_165 = vector.load %arg11[%swap3A, %swap3A_162, %swap3A_163, %swap3A_164] : memref<1x1x64x300xi32, #tpu.memory_space<vmem>>, vector<1x1x16x300xi32>
    %swap3A_166 = vector.shape_cast %swap3A_165 : vector<1x1x16x300xi32> to vector<16x300xi32>
    %swap3A_167 = vector.shape_cast %add3A_151 : vector<16x300xi32> to vector<1x1x16x300xi32>
    tpu.vector_store %arg11[%swap3A, %swap3A_162, %swap3A_163, %swap3A_164], %swap3A_167 {strides = array<i32>} : memref<1x1x64x300xi32, #tpu.memory_space<vmem>>, vector<1x1x16x300xi32>,
    %swap3A_168 = arith.constant 0 : index
    %swap3A_169 = arith.constant 0 : index
    %swap3A_170 = arith.constant 0 : index
    %swap3A_171 = arith.constant 0 : index
    %swap3A_172 = vector.load %arg12[%swap3A_168, %swap3A_169, %swap3A_170, %swap3A_171] : memref<1x1x64x300xf32, #tpu.memory_space<vmem>>, vector<1x1x16x300xf32>
    %swap3A_173 = vector.shape_cast %swap3A_172 : vector<1x1x16x300xf32> to vector<16x300xf32>
    %swap3A_174 = vector.shape_cast %select_n3A : vector<16x300xf32> to vector<1x1x16x300xf32>
    tpu.vector_store %arg12[%swap3A_168, %swap3A_169, %swap3A_170, %swap3A_171], %swap3A_174 {strides = array<i32>} : memref<1x1x64x300xf32, #tpu.memory_space<vmem>>, vector<1x1x16x300xf32>,
    %add3A_175 = arith.constant 1.000000e+00 : f32
    %add3A_176 = vector.broadcast %add3A_175 : f32 to vector<16x300xf32>
    %add3A_177 = arith.addf %floor3A, %add3A_176 : vector<16x300xf32>
    %add3A_178 = arith.constant 0.000000e+00 : f32
    %add3A_179 = vector.broadcast %add3A_178 : f32 to vector<16x300xf32>
    %add3A_180 = arith.addf %floor3A_101, %add3A_179 : vector<16x300xf32>
    %ge3A_181 = arith.constant 0.000000e+00 : f32
    %ge3A_182 = vector.broadcast %ge3A_181 : f32 to vector<16x300xf32>
    %ge3A_183 = arith.cmpf oge, %add3A_177, %ge3A_182 : vector<16x300xf32>
    %sub3A_184 = arith.constant 1.000000e+00 : f32
    %sub3A_185 = vector.broadcast %sub3A_184 : f32 to vector<16x1xf32>
    %sub3A_186 = arith.subf %get3A_71, %sub3A_185 : vector<16x1xf32>
    %le3A_187 = vector.broadcast %sub3A_186 : vector<16x1xf32> to vector<16x300xf32>
    %le3A_188 = arith.cmpf ole, %add3A_177, %le3A_187 : vector<16x300xf32>
    %and3A_189 = arith.andi %ge3A_183, %le3A_188 : vector<16x300xi1>
    %ge3A_190 = arith.constant 0.000000e+00 : f32
    %ge3A_191 = vector.broadcast %ge3A_190 : f32 to vector<16x300xf32>
    %ge3A_192 = arith.cmpf oge, %add3A_180, %ge3A_191 : vector<16x300xf32>
    %and3A_193 = arith.andi %and3A_189, %ge3A_192 : vector<16x300xi1>
    %sub3A_194 = arith.constant 1.000000e+00 : f32
    %sub3A_195 = vector.broadcast %sub3A_194 : f32 to vector<16x1xf32>
    %sub3A_196 = arith.subf %get3A_74, %sub3A_195 : vector<16x1xf32>
    %le3A_197 = vector.broadcast %sub3A_196 : vector<16x1xf32> to vector<16x300xf32>
    %le3A_198 = arith.cmpf ole, %add3A_180, %le3A_197 : vector<16x300xf32>
    %and3A_199 = arith.andi %and3A_193, %le3A_198 : vector<16x300xi1>
    %sub3A_200 = arith.constant 1.000000e+00 : f32
    %sub3A_201 = vector.broadcast %sub3A_200 : f32 to vector<16x1xf32>
    %sub3A_202 = arith.subf %get3A_71, %sub3A_201 : vector<16x1xf32>
    %jit3A_203 = arith.constant 0.000000e+00 : f32
    %max3A_204 = vector.broadcast %jit3A_203 : f32 to vector<16x300xf32>
    %max3A_205 = arith.maximumf %max3A_204, %add3A_177 : vector<16x300xf32>
    %min3A_206 = vector.broadcast %sub3A_202 : vector<16x1xf32> to vector<16x300xf32>
    %min3A_207 = arith.minimumf %min3A_206, %max3A_205 : vector<16x300xf32>
    %sub3A_208 = arith.constant 1.000000e+00 : f32
    %sub3A_209 = vector.broadcast %sub3A_208 : f32 to vector<16x1xf32>
    %sub3A_210 = arith.subf %get3A_74, %sub3A_209 : vector<16x1xf32>
    %jit3A_211 = arith.constant 0.000000e+00 : f32
    %max3A_212 = vector.broadcast %jit3A_211 : f32 to vector<16x300xf32>
    %max3A_213 = arith.maximumf %max3A_212, %add3A_180 : vector<16x300xf32>
    %min3A_214 = vector.broadcast %sub3A_210 : vector<16x1xf32> to vector<16x300xf32>
    %min3A_215 = arith.minimumf %min3A_214, %max3A_213 : vector<16x300xf32>
    %mul3A_216 = vector.broadcast %get3A_71 : vector<16x1xf32> to vector<16x300xf32>
    %mul3A_217 = arith.mulf %min3A_215, %mul3A_216 : vector<16x300xf32>
    %add3A_218 = vector.broadcast %get3A_77 : vector<16x1xf32> to vector<16x300xf32>
    %add3A_219 = arith.addf %add3A_218, %mul3A_217 : vector<16x300xf32>
    %add3A_220 = arith.addf %add3A_219, %min3A_207 : vector<16x300xf32>
    %convert_element_type3A_221 = arith.fptosi %add3A_220 : vector<16x300xf32> to vector<16x300xi32>
    %mul3A_222 = arith.constant 8 : i32
    %mul3A_223 = vector.broadcast %mul3A_222 : i32 to vector<16x300xi32>
    %mul3A_224 = arith.muli %convert_element_type3A_221, %mul3A_223 : vector<16x300xi32>
    %add3A_225 = vector.broadcast %add3A_106 : i32 to vector<16x300xi32>
    %add3A_226 = arith.addi %mul3A_224, %add3A_225 : vector<16x300xi32>
    %sub3A_227 = arith.constant 1.000000e+00 : f32
    %sub3A_228 = vector.broadcast %sub3A_227 : f32 to vector<16x300xf32>
    %sub3A_229 = arith.subf %sub3A_228, %sub3A_103 : vector<16x300xf32>
    %mul3A_230 = arith.mulf %sub3A_102, %sub3A_229 : vector<16x300xf32>
    %mul3A_231 = arith.mulf %mul3A_230, %div3A_20 : vector<16x300xf32>
    %jit3A_232 = arith.constant 0.000000e+00 : f32
    %broadcast_in_dim3A_233 = vector.broadcast %jit3A_232 : f32 to vector<16x300xf32>
    %select_n3A_234 = arith.select %and3A_199, %mul3A_231, %broadcast_in_dim3A_233 : vector<16x300xi1>, vector<16x300xf32>
    %swap3A_235 = arith.constant 0 : index
    %swap3A_236 = arith.constant 0 : index
    %swap3A_237 = arith.constant 16 : index
    %swap3A_238 = arith.constant 0 : index
    %swap3A_239 = vector.load %arg11[%swap3A_235, %swap3A_236, %swap3A_237, %swap3A_238] : memref<1x1x64x300xi32, #tpu.memory_space<vmem>>, vector<1x1x16x300xi32>
    %swap3A_240 = vector.shape_cast %swap3A_239 : vector<1x1x16x300xi32> to vector<16x300xi32>
    %swap3A_241 = vector.shape_cast %add3A_226 : vector<16x300xi32> to vector<1x1x16x300xi32>
    tpu.vector_store %arg11[%swap3A_235, %swap3A_236, %swap3A_237, %swap3A_238], %swap3A_241 {strides = array<i32>} : memref<1x1x64x300xi32, #tpu.memory_space<vmem>>, vector<1x1x16x300xi32>,
    %swap3A_242 = arith.constant 0 : index
    %swap3A_243 = arith.constant 0 : index
    %swap3A_244 = arith.constant 16 : index
    %swap3A_245 = arith.constant 0 : index
    %swap3A_246 = vector.load %arg12[%swap3A_242, %swap3A_243, %swap3A_244, %swap3A_245] : memref<1x1x64x300xf32, #tpu.memory_space<vmem>>, vector<1x1x16x300xf32>
    %swap3A_247 = vector.shape_cast %swap3A_246 : vector<1x1x16x300xf32> to vector<16x300xf32>
    %swap3A_248 = vector.shape_cast %select_n3A_234 : vector<16x300xf32> to vector<1x1x16x300xf32>
    tpu.vector_store %arg12[%swap3A_242, %swap3A_243, %swap3A_244, %swap3A_245], %swap3A_248 {strides = array<i32>} : memref<1x1x64x300xf32, #tpu.memory_space<vmem>>, vector<1x1x16x300xf32>,
    %add3A_249 = arith.constant 0.000000e+00 : f32
    %add3A_250 = vector.broadcast %add3A_249 : f32 to vector<16x300xf32>
    %add3A_251 = arith.addf %floor3A, %add3A_250 : vector<16x300xf32>
    %add3A_252 = arith.constant 1.000000e+00 : f32
    %add3A_253 = vector.broadcast %add3A_252 : f32 to vector<16x300xf32>
    %add3A_254 = arith.addf %floor3A_101, %add3A_253 : vector<16x300xf32>
    %ge3A_255 = arith.constant 0.000000e+00 : f32
    %ge3A_256 = vector.broadcast %ge3A_255 : f32 to vector<16x300xf32>
    %ge3A_257 = arith.cmpf oge, %add3A_251, %ge3A_256 : vector<16x300xf32>
    %sub3A_258 = arith.constant 1.000000e+00 : f32
    %sub3A_259 = vector.broadcast %sub3A_258 : f32 to vector<16x1xf32>
    %sub3A_260 = arith.subf %get3A_71, %sub3A_259 : vector<16x1xf32>
    %le3A_261 = vector.broadcast %sub3A_260 : vector<16x1xf32> to vector<16x300xf32>
    %le3A_262 = arith.cmpf ole, %add3A_251, %le3A_261 : vector<16x300xf32>
    %and3A_263 = arith.andi %ge3A_257, %le3A_262 : vector<16x300xi1>
    %ge3A_264 = arith.constant 0.000000e+00 : f32
    %ge3A_265 = vector.broadcast %ge3A_264 : f32 to vector<16x300xf32>
    %ge3A_266 = arith.cmpf oge, %add3A_254, %ge3A_265 : vector<16x300xf32>
    %and3A_267 = arith.andi %and3A_263, %ge3A_266 : vector<16x300xi1>
    %sub3A_268 = arith.constant 1.000000e+00 : f32
    %sub3A_269 = vector.broadcast %sub3A_268 : f32 to vector<16x1xf32>
    %sub3A_270 = arith.subf %get3A_74, %sub3A_269 : vector<16x1xf32>
    %le3A_271 = vector.broadcast %sub3A_270 : vector<16x1xf32> to vector<16x300xf32>
    %le3A_272 = arith.cmpf ole, %add3A_254, %le3A_271 : vector<16x300xf32>
    %and3A_273 = arith.andi %and3A_267, %le3A_272 : vector<16x300xi1>
    %sub3A_274 = arith.constant 1.000000e+00 : f32
    %sub3A_275 = vector.broadcast %sub3A_274 : f32 to vector<16x1xf32>
    %sub3A_276 = arith.subf %get3A_71, %sub3A_275 : vector<16x1xf32>
    %jit3A_277 = arith.constant 0.000000e+00 : f32
    %max3A_278 = vector.broadcast %jit3A_277 : f32 to vector<16x300xf32>
    %max3A_279 = arith.maximumf %max3A_278, %add3A_251 : vector<16x300xf32>
    %min3A_280 = vector.broadcast %sub3A_276 : vector<16x1xf32> to vector<16x300xf32>
    %min3A_281 = arith.minimumf %min3A_280, %max3A_279 : vector<16x300xf32>
    %sub3A_282 = arith.constant 1.000000e+00 : f32
    %sub3A_283 = vector.broadcast %sub3A_282 : f32 to vector<16x1xf32>
    %sub3A_284 = arith.subf %get3A_74, %sub3A_283 : vector<16x1xf32>
    %jit3A_285 = arith.constant 0.000000e+00 : f32
    %max3A_286 = vector.broadcast %jit3A_285 : f32 to vector<16x300xf32>
    %max3A_287 = arith.maximumf %max3A_286, %add3A_254 : vector<16x300xf32>
    %min3A_288 = vector.broadcast %sub3A_284 : vector<16x1xf32> to vector<16x300xf32>
    %min3A_289 = arith.minimumf %min3A_288, %max3A_287 : vector<16x300xf32>
    %mul3A_290 = vector.broadcast %get3A_71 : vector<16x1xf32> to vector<16x300xf32>
    %mul3A_291 = arith.mulf %min3A_289, %mul3A_290 : vector<16x300xf32>
    %add3A_292 = vector.broadcast %get3A_77 : vector<16x1xf32> to vector<16x300xf32>
    %add3A_293 = arith.addf %add3A_292, %mul3A_291 : vector<16x300xf32>
    %add3A_294 = arith.addf %add3A_293, %min3A_281 : vector<16x300xf32>
    %convert_element_type3A_295 = arith.fptosi %add3A_294 : vector<16x300xf32> to vector<16x300xi32>
    %mul3A_296 = arith.constant 8 : i32
    %mul3A_297 = vector.broadcast %mul3A_296 : i32 to vector<16x300xi32>
    %mul3A_298 = arith.muli %convert_element_type3A_295, %mul3A_297 : vector<16x300xi32>
    %add3A_299 = vector.broadcast %add3A_106 : i32 to vector<16x300xi32>
    %add3A_300 = arith.addi %mul3A_298, %add3A_299 : vector<16x300xi32>
    %sub3A_301 = arith.constant 1.000000e+00 : f32
    %sub3A_302 = vector.broadcast %sub3A_301 : f32 to vector<16x300xf32>
    %sub3A_303 = arith.subf %sub3A_302, %sub3A_102 : vector<16x300xf32>
    %mul3A_304 = arith.mulf %sub3A_303, %sub3A_103 : vector<16x300xf32>
    %mul3A_305 = arith.mulf %mul3A_304, %div3A_20 : vector<16x300xf32>
    %jit3A_306 = arith.constant 0.000000e+00 : f32
    %broadcast_in_dim3A_307 = vector.broadcast %jit3A_306 : f32 to vector<16x300xf32>
    %select_n3A_308 = arith.select %and3A_273, %mul3A_305, %broadcast_in_dim3A_307 : vector<16x300xi1>, vector<16x300xf32>
    %swap3A_309 = arith.constant 0 : index
    %swap3A_310 = arith.constant 0 : index
    %swap3A_311 = arith.constant 32 : index
    %swap3A_312 = arith.constant 0 : index
    %swap3A_313 = vector.load %arg11[%swap3A_309, %swap3A_310, %swap3A_311, %swap3A_312] : memref<1x1x64x300xi32, #tpu.memory_space<vmem>>, vector<1x1x16x300xi32>
    %swap3A_314 = vector.shape_cast %swap3A_313 : vector<1x1x16x300xi32> to vector<16x300xi32>
    %swap3A_315 = vector.shape_cast %add3A_300 : vector<16x300xi32> to vector<1x1x16x300xi32>
    tpu.vector_store %arg11[%swap3A_309, %swap3A_310, %swap3A_311, %swap3A_312], %swap3A_315 {strides = array<i32>} : memref<1x1x64x300xi32, #tpu.memory_space<vmem>>, vector<1x1x16x300xi32>,
    %swap3A_316 = arith.constant 0 : index
    %swap3A_317 = arith.constant 0 : index
    %swap3A_318 = arith.constant 32 : index
    %swap3A_319 = arith.constant 0 : index
    %swap3A_320 = vector.load %arg12[%swap3A_316, %swap3A_317, %swap3A_318, %swap3A_319] : memref<1x1x64x300xf32, #tpu.memory_space<vmem>>, vector<1x1x16x300xf32>
    %swap3A_321 = vector.shape_cast %swap3A_320 : vector<1x1x16x300xf32> to vector<16x300xf32>
    %swap3A_322 = vector.shape_cast %select_n3A_308 : vector<16x300xf32> to vector<1x1x16x300xf32>
    tpu.vector_store %arg12[%swap3A_316, %swap3A_317, %swap3A_318, %swap3A_319], %swap3A_322 {strides = array<i32>} : memref<1x1x64x300xf32, #tpu.memory_space<vmem>>, vector<1x1x16x300xf32>,
    %add3A_323 = arith.constant 1.000000e+00 : f32
    %add3A_324 = vector.broadcast %add3A_323 : f32 to vector<16x300xf32>
    %add3A_325 = arith.addf %floor3A, %add3A_324 : vector<16x300xf32>
    %add3A_326 = arith.constant 1.000000e+00 : f32
    %add3A_327 = vector.broadcast %add3A_326 : f32 to vector<16x300xf32>
    %add3A_328 = arith.addf %floor3A_101, %add3A_327 : vector<16x300xf32>
    %ge3A_329 = arith.constant 0.000000e+00 : f32
    %ge3A_330 = vector.broadcast %ge3A_329 : f32 to vector<16x300xf32>
    %ge3A_331 = arith.cmpf oge, %add3A_325, %ge3A_330 : vector<16x300xf32>
    %sub3A_332 = arith.constant 1.000000e+00 : f32
    %sub3A_333 = vector.broadcast %sub3A_332 : f32 to vector<16x1xf32>
    %sub3A_334 = arith.subf %get3A_71, %sub3A_333 : vector<16x1xf32>
    %le3A_335 = vector.broadcast %sub3A_334 : vector<16x1xf32> to vector<16x300xf32>
    %le3A_336 = arith.cmpf ole, %add3A_325, %le3A_335 : vector<16x300xf32>
    %and3A_337 = arith.andi %ge3A_331, %le3A_336 : vector<16x300xi1>
    %ge3A_338 = arith.constant 0.000000e+00 : f32
    %ge3A_339 = vector.broadcast %ge3A_338 : f32 to vector<16x300xf32>
    %ge3A_340 = arith.cmpf oge, %add3A_328, %ge3A_339 : vector<16x300xf32>
    %and3A_341 = arith.andi %and3A_337, %ge3A_340 : vector<16x300xi1>
    %sub3A_342 = arith.constant 1.000000e+00 : f32
    %sub3A_343 = vector.broadcast %sub3A_342 : f32 to vector<16x1xf32>
    %sub3A_344 = arith.subf %get3A_74, %sub3A_343 : vector<16x1xf32>
    %le3A_345 = vector.broadcast %sub3A_344 : vector<16x1xf32> to vector<16x300xf32>
    %le3A_346 = arith.cmpf ole, %add3A_328, %le3A_345 : vector<16x300xf32>
    %and3A_347 = arith.andi %and3A_341, %le3A_346 : vector<16x300xi1>
    %sub3A_348 = arith.constant 1.000000e+00 : f32
    %sub3A_349 = vector.broadcast %sub3A_348 : f32 to vector<16x1xf32>
    %sub3A_350 = arith.subf %get3A_71, %sub3A_349 : vector<16x1xf32>
    %jit3A_351 = arith.constant 0.000000e+00 : f32
    %max3A_352 = vector.broadcast %jit3A_351 : f32 to vector<16x300xf32>
    %max3A_353 = arith.maximumf %max3A_352, %add3A_325 : vector<16x300xf32>
    %min3A_354 = vector.broadcast %sub3A_350 : vector<16x1xf32> to vector<16x300xf32>
    %min3A_355 = arith.minimumf %min3A_354, %max3A_353 : vector<16x300xf32>
    %sub3A_356 = arith.constant 1.000000e+00 : f32
    %sub3A_357 = vector.broadcast %sub3A_356 : f32 to vector<16x1xf32>
    %sub3A_358 = arith.subf %get3A_74, %sub3A_357 : vector<16x1xf32>
    %jit3A_359 = arith.constant 0.000000e+00 : f32
    %max3A_360 = vector.broadcast %jit3A_359 : f32 to vector<16x300xf32>
    %max3A_361 = arith.maximumf %max3A_360, %add3A_328 : vector<16x300xf32>
    %min3A_362 = vector.broadcast %sub3A_358 : vector<16x1xf32> to vector<16x300xf32>
    %min3A_363 = arith.minimumf %min3A_362, %max3A_361 : vector<16x300xf32>
    %mul3A_364 = vector.broadcast %get3A_71 : vector<16x1xf32> to vector<16x300xf32>
    %mul3A_365 = arith.mulf %min3A_363, %mul3A_364 : vector<16x300xf32>
    %add3A_366 = vector.broadcast %get3A_77 : vector<16x1xf32> to vector<16x300xf32>
    %add3A_367 = arith.addf %add3A_366, %mul3A_365 : vector<16x300xf32>
    %add3A_368 = arith.addf %add3A_367, %min3A_355 : vector<16x300xf32>
    %convert_element_type3A_369 = arith.fptosi %add3A_368 : vector<16x300xf32> to vector<16x300xi32>
    %mul3A_370 = arith.constant 8 : i32
    %mul3A_371 = vector.broadcast %mul3A_370 : i32 to vector<16x300xi32>
    %mul3A_372 = arith.muli %convert_element_type3A_369, %mul3A_371 : vector<16x300xi32>
    %add3A_373 = vector.broadcast %add3A_106 : i32 to vector<16x300xi32>
    %add3A_374 = arith.addi %mul3A_372, %add3A_373 : vector<16x300xi32>
    %mul3A_375 = arith.mulf %sub3A_102, %sub3A_103 : vector<16x300xf32>
    %mul3A_376 = arith.mulf %mul3A_375, %div3A_20 : vector<16x300xf32>
    %jit3A_377 = arith.constant 0.000000e+00 : f32
    %broadcast_in_dim3A_378 = vector.broadcast %jit3A_377 : f32 to vector<16x300xf32>
    %select_n3A_379 = arith.select %and3A_347, %mul3A_376, %broadcast_in_dim3A_378 : vector<16x300xi1>, vector<16x300xf32>
    %swap3A_380 = arith.constant 0 : index
    %swap3A_381 = arith.constant 0 : index
    %swap3A_382 = arith.constant 48 : index
    %swap3A_383 = arith.constant 0 : index
    %swap3A_384 = vector.load %arg11[%swap3A_380, %swap3A_381, %swap3A_382, %swap3A_383] : memref<1x1x64x300xi32, #tpu.memory_space<vmem>>, vector<1x1x16x300xi32>
    %swap3A_385 = vector.shape_cast %swap3A_384 : vector<1x1x16x300xi32> to vector<16x300xi32>
    %swap3A_386 = vector.shape_cast %add3A_374 : vector<16x300xi32> to vector<1x1x16x300xi32>
    tpu.vector_store %arg11[%swap3A_380, %swap3A_381, %swap3A_382, %swap3A_383], %swap3A_386 {strides = array<i32>} : memref<1x1x64x300xi32, #tpu.memory_space<vmem>>, vector<1x1x16x300xi32>,
    %swap3A_387 = arith.constant 0 : index
    %swap3A_388 = arith.constant 0 : index
    %swap3A_389 = arith.constant 48 : index
    %swap3A_390 = arith.constant 0 : index
    %swap3A_391 = vector.load %arg12[%swap3A_387, %swap3A_388, %swap3A_389, %swap3A_390] : memref<1x1x64x300xf32, #tpu.memory_space<vmem>>, vector<1x1x16x300xf32>
    %swap3A_392 = vector.shape_cast %swap3A_391 : vector<1x1x16x300xf32> to vector<16x300xf32>
    %swap3A_393 = vector.shape_cast %select_n3A_379 : vector<16x300xf32> to vector<1x1x16x300xf32>
    tpu.vector_store %arg12[%swap3A_387, %swap3A_388, %swap3A_389, %swap3A_390], %swap3A_393 {strides = array<i32>} : memref<1x1x64x300xf32, #tpu.memory_space<vmem>>, vector<1x1x16x300xf32>,
    return
  }
  func.func @transform_0(%arg0: i32, %arg1: i32) -> (i32, i32, i32) {
    %c0_i32 = arith.constant 0 : i32
    %c0_i32_0 = arith.constant 0 : i32
    %c0_i32_1 = arith.constant 0 : i32
    return %arg0, %c0_i32, %c0_i32_0 : i32, i32, i32
  }
  func.func @transform_1(%arg0: i32, %arg1: i32) -> (i32, i32, i32) {
    %c0_i32 = arith.constant 0 : i32
    %c0_i32_0 = arith.constant 0 : i32
    %c0_i32_1 = arith.constant 0 : i32
    return %arg0, %c0_i32, %c0_i32_0 : i32, i32, i32
  }
  func.func @transform_2(%arg0: i32, %arg1: i32) -> (i32, i32, i32) {
    %c0_i32 = arith.constant 0 : i32
    %c0_i32_0 = arith.constant 0 : i32
    %c0_i32_1 = arith.constant 0 : i32
    return %arg1, %c0_i32, %c0_i32_0 : i32, i32, i32
  }
  func.func @transform_3(%arg0: i32, %arg1: i32) -> (i32, i32, i32) {
    %c0_i32 = arith.constant 0 : i32
    %c0_i32_0 = arith.constant 0 : i32
    %c0_i32_1 = arith.constant 0 : i32
    return %arg1, %c0_i32, %c0_i32_0 : i32, i32, i32
  }
  func.func @transform_4(%arg0: i32, %arg1: i32) -> (i32, i32, i32) {
    %c0_i32 = arith.constant 0 : i32
    %c0_i32_0 = arith.constant 0 : i32
    %c0_i32_1 = arith.constant 0 : i32
    return %arg1, %c0_i32, %c0_i32_0 : i32, i32, i32
  }
  func.func @transform_5(%arg0: i32, %arg1: i32) -> (i32, i32, i32) {
    %c0_i32 = arith.constant 0 : i32
    %c0_i32_0 = arith.constant 0 : i32
    %c0_i32_1 = arith.constant 0 : i32
    return %arg1, %c0_i32, %c0_i32_0 : i32, i32, i32
  }
  func.func @transform_6(%arg0: i32, %arg1: i32) -> (i32, i32, i32) {
    %c0_i32 = arith.constant 0 : i32
    %c0_i32_0 = arith.constant 0 : i32
    %c0_i32_1 = arith.constant 0 : i32
    return %arg1, %c0_i32, %c0_i32_0 : i32, i32, i32
  }
  func.func @transform_7(%arg0: i32, %arg1: i32) -> (i32, i32, i32) {
    %c0_i32 = arith.constant 0 : i32
    %c0_i32_0 = arith.constant 0 : i32
    %c0_i32_1 = arith.constant 0 : i32
    return %arg1, %c0_i32, %c0_i32_0 : i32, i32, i32
  }
  func.func @transform_8(%arg0: i32, %arg1: i32) -> (i32, i32) {
    %c0_i32 = arith.constant 0 : i32
    %c0_i32_0 = arith.constant 0 : i32
    %c0_i32_1 = arith.constant 0 : i32
    return %c0_i32, %c0_i32_0 : i32, i32
  }
  func.func @transform_9(%arg0: i32, %arg1: i32) -> (i32, i32, i32, i32) {
    %c0_i32 = arith.constant 0 : i32
    %c0_i32_0 = arith.constant 0 : i32
    %c0_i32_1 = arith.constant 0 : i32
    return %arg0, %arg1, %c0_i32, %c0_i32_0 : i32, i32, i32, i32
  }
  func.func @transform_10(%arg0: i32, %arg1: i32) -> (i32, i32, i32, i32) {
    %c0_i32 = arith.constant 0 : i32
    %c0_i32_0 = arith.constant 0 : i32
    %c0_i32_1 = arith.constant 0 : i32
    return %arg0, %arg1, %c0_i32, %c0_i32_0 : i32, i32, i32, i32
  }
}

module attributes {stable_mosaic.version = 14 : i64} {
  func.func @_reduce_body(%arg0: i32, %arg1: i32, %arg2: memref<1x1x300x16x128xf32, #tpu.memory_space<vmem>>, %arg3: memref<1x1x4x300x16xf32, #tpu.memory_space<vmem>>, %arg4: memref<1x32x256xf32, #tpu.memory_space<vmem>>, %arg5: memref<1x256xf32, #tpu.memory_space<vmem>>, %arg6: memref<1x300x256xf32, #tpu.memory_space<vmem>>) attributes {dimension_semantics = [#tpu.dimension_semantics<arbitrary>, #tpu.dimension_semantics<arbitrary>], iteration_bounds = array<i64: 8, 8>, scalar_prefetch = 0 : i64, scratch_operands = 0 : i64, tpu.core_type = #tpu.core_type<tc>, window_params = [{transform_indices = @transform_0, window_bounds = array<i64: 1, 1, 300, 16, 128>}, {transform_indices = @transform_1, window_bounds = array<i64: 1, 1, 4, 300, 16>}, {transform_indices = @transform_2, window_bounds = array<i64: 1, 32, 256>}, {pipeline_mode = #tpu.pipeline_mode<synchronous>, transform_indices = @transform_3, window_bounds = array<i64: 1, 256>}, {transform_indices = @transform_4, window_bounds = array<i64: 1, 300, 256>}]} {
    %get3A = arith.constant 0 : index
    %get3A_0 = arith.constant 0 : index
    %get3A_1 = arith.constant 0 : index
    %get3A_2 = arith.constant 0 : index
    %get3A_3 = arith.constant 0 : index
    %get3A_4 = vector.load %arg2[%get3A, %get3A_0, %get3A_1, %get3A_2, %get3A_3] : memref<1x1x300x16x128xf32, #tpu.memory_space<vmem>>, vector<1x1x300x16x128xf32>
    %get3A_5 = vector.shape_cast %get3A_4 : vector<1x1x300x16x128xf32> to vector<300x16x128xf32>
    %get3A_6 = arith.constant 0 : index
    %get3A_7 = arith.constant 0 : index
    %get3A_8 = arith.constant 0 : index
    %get3A_9 = arith.constant 0 : index
    %get3A_10 = arith.constant 0 : index
    %get3A_11 = vector.load %arg3[%get3A_6, %get3A_7, %get3A_8, %get3A_9, %get3A_10] : memref<1x1x4x300x16xf32, #tpu.memory_space<vmem>>, vector<1x1x4x300x16xf32>
    %get3A_12 = vector.shape_cast %get3A_11 : vector<1x1x4x300x16xf32> to vector<4x300x16xf32>
    %slice3A = vector.extract_strided_slice %get3A_5 {offsets = [0, 0, 0], sizes = [300, 16, 32], strides = [1, 1, 1]} : vector<300x16x128xf32> to vector<300x16x32xf32>
    %slice3A_13 = vector.extract_strided_slice %get3A_12 {offsets = [0, 0, 0], sizes = [1, 300, 16], strides = [1, 1, 1]} : vector<4x300x16xf32> to vector<1x300x16xf32>
    %squeeze3A = vector.shape_cast %slice3A_13 : vector<1x300x16xf32> to vector<300x16xf32>
    %broadcast_in_dim3A = vector.shape_cast %squeeze3A : vector<300x16xf32> to vector<300x16x1xf32>
    %mul3A = vector.broadcast %broadcast_in_dim3A : vector<300x16x1xf32> to vector<300x16x32xf32>
    %mul3A_14 = arith.mulf %slice3A, %mul3A : vector<300x16x32xf32>
    %reduce_sum3A = arith.constant dense<0.000000e+00> : vector<300x32xf32>
    %reduce_sum3A_15 = vector.multi_reduction <add>, %mul3A_14, %reduce_sum3A [1] : vector<300x16x32xf32> to vector<300x32xf32>
    %slice3A_16 = vector.extract_strided_slice %get3A_5 {offsets = [0, 0, 32], sizes = [300, 16, 32], strides = [1, 1, 1]} : vector<300x16x128xf32> to vector<300x16x32xf32>
    %slice3A_17 = vector.extract_strided_slice %get3A_12 {offsets = [1, 0, 0], sizes = [1, 300, 16], strides = [1, 1, 1]} : vector<4x300x16xf32> to vector<1x300x16xf32>
    %squeeze3A_18 = vector.shape_cast %slice3A_17 : vector<1x300x16xf32> to vector<300x16xf32>
    %broadcast_in_dim3A_19 = vector.shape_cast %squeeze3A_18 : vector<300x16xf32> to vector<300x16x1xf32>
    %mul3A_20 = vector.broadcast %broadcast_in_dim3A_19 : vector<300x16x1xf32> to vector<300x16x32xf32>
    %mul3A_21 = arith.mulf %slice3A_16, %mul3A_20 : vector<300x16x32xf32>
    %reduce_sum3A_22 = arith.constant dense<0.000000e+00> : vector<300x32xf32>
    %reduce_sum3A_23 = vector.multi_reduction <add>, %mul3A_21, %reduce_sum3A_22 [1] : vector<300x16x32xf32> to vector<300x32xf32>
    %add3A = arith.addf %reduce_sum3A_15, %reduce_sum3A_23 : vector<300x32xf32>
    %slice3A_24 = vector.extract_strided_slice %get3A_5 {offsets = [0, 0, 64], sizes = [300, 16, 32], strides = [1, 1, 1]} : vector<300x16x128xf32> to vector<300x16x32xf32>
    %slice3A_25 = vector.extract_strided_slice %get3A_12 {offsets = [2, 0, 0], sizes = [1, 300, 16], strides = [1, 1, 1]} : vector<4x300x16xf32> to vector<1x300x16xf32>
    %squeeze3A_26 = vector.shape_cast %slice3A_25 : vector<1x300x16xf32> to vector<300x16xf32>
    %broadcast_in_dim3A_27 = vector.shape_cast %squeeze3A_26 : vector<300x16xf32> to vector<300x16x1xf32>
    %mul3A_28 = vector.broadcast %broadcast_in_dim3A_27 : vector<300x16x1xf32> to vector<300x16x32xf32>
    %mul3A_29 = arith.mulf %slice3A_24, %mul3A_28 : vector<300x16x32xf32>
    %reduce_sum3A_30 = arith.constant dense<0.000000e+00> : vector<300x32xf32>
    %reduce_sum3A_31 = vector.multi_reduction <add>, %mul3A_29, %reduce_sum3A_30 [1] : vector<300x16x32xf32> to vector<300x32xf32>
    %add3A_32 = arith.addf %add3A, %reduce_sum3A_31 : vector<300x32xf32>
    %slice3A_33 = vector.extract_strided_slice %get3A_5 {offsets = [0, 0, 96], sizes = [300, 16, 32], strides = [1, 1, 1]} : vector<300x16x128xf32> to vector<300x16x32xf32>
    %slice3A_34 = vector.extract_strided_slice %get3A_12 {offsets = [3, 0, 0], sizes = [1, 300, 16], strides = [1, 1, 1]} : vector<4x300x16xf32> to vector<1x300x16xf32>
    %squeeze3A_35 = vector.shape_cast %slice3A_34 : vector<1x300x16xf32> to vector<300x16xf32>
    %broadcast_in_dim3A_36 = vector.shape_cast %squeeze3A_35 : vector<300x16xf32> to vector<300x16x1xf32>
    %mul3A_37 = vector.broadcast %broadcast_in_dim3A_36 : vector<300x16x1xf32> to vector<300x16x32xf32>
    %mul3A_38 = arith.mulf %slice3A_33, %mul3A_37 : vector<300x16x32xf32>
    %reduce_sum3A_39 = arith.constant dense<0.000000e+00> : vector<300x32xf32>
    %reduce_sum3A_40 = vector.multi_reduction <add>, %mul3A_38, %reduce_sum3A_39 [1] : vector<300x16x32xf32> to vector<300x32xf32>
    %add3A_41 = arith.addf %add3A_32, %reduce_sum3A_40 : vector<300x32xf32>
    %get3A_42 = arith.constant 0 : index
    %get3A_43 = arith.constant 0 : index
    %get3A_44 = arith.constant 0 : index
    %get3A_45 = vector.load %arg4[%get3A_42, %get3A_43, %get3A_44] : memref<1x32x256xf32, #tpu.memory_space<vmem>>, vector<1x32x256xf32>
    %get3A_46 = vector.shape_cast %get3A_45 : vector<1x32x256xf32> to vector<32x256xf32>
    %dot_general3A = arith.constant dense<0.000000e+00> : vector<300x256xf32>
    %dot_general3A_47 = tpu.matmul %add3A_41, %get3A_46, %dot_general3A {dimension_numbers = #tpu.dot_dimension_numbers<[1], [0], [0], [1], [0, 0, 1, 1], [], []>, transpose_lhs_hint = false} : vector<300x32xf32>, vector<32x256xf32>, vector<300x256xf32> -> vector<300x256xf32>
    %eq3A = arith.constant 0 : i32
    %eq3A_48 = arith.cmpi eq, %arg1, %eq3A : i32
    %convert_element_type3A = arith.extui %eq3A_48 : i1 to i32
    %cond3A = arith.constant 0 : i32
    %cond3A_49 = arith.cmpi ne, %convert_element_type3A, %cond3A : i32
    scf.if %cond3A_49 {
      %get3A_54 = arith.constant 0 : index
      %get3A_55 = arith.constant 0 : index
      %get3A_56 = vector.load %arg5[%get3A_54, %get3A_55] : memref<1x256xf32, #tpu.memory_space<vmem>>, vector<1x256xf32>
      %add3A_57 = vector.broadcast %get3A_56 : vector<1x256xf32> to vector<300x256xf32>
      %add3A_58 = arith.addf %dot_general3A_47, %add3A_57 : vector<300x256xf32>
      %swap3A = arith.constant 0 : index
      %swap3A_59 = arith.constant 0 : index
      %swap3A_60 = arith.constant 0 : index
      %swap3A_61 = vector.load %arg6[%swap3A, %swap3A_59, %swap3A_60] : memref<1x300x256xf32, #tpu.memory_space<vmem>>, vector<1x300x256xf32>
      %swap3A_62 = vector.shape_cast %swap3A_61 : vector<1x300x256xf32> to vector<300x256xf32>
      %swap3A_63 = vector.shape_cast %add3A_58 : vector<300x256xf32> to vector<1x300x256xf32>
      tpu.vector_store %arg6[%swap3A, %swap3A_59, %swap3A_60], %swap3A_63 {strides = array<i32>} : memref<1x300x256xf32, #tpu.memory_space<vmem>>, vector<1x300x256xf32>,
    } else {
    }
    %ne3A = arith.constant 0 : i32
    %ne3A_50 = arith.cmpi ne, %arg1, %ne3A : i32
    %convert_element_type3A_51 = arith.extui %ne3A_50 : i1 to i32
    %cond3A_52 = arith.constant 0 : i32
    %cond3A_53 = arith.cmpi ne, %convert_element_type3A_51, %cond3A_52 : i32
    scf.if %cond3A_53 {
      %get3A_54 = arith.constant 0 : index
      %get3A_55 = arith.constant 0 : index
      %get3A_56 = arith.constant 0 : index
      %get3A_57 = vector.load %arg6[%get3A_54, %get3A_55, %get3A_56] : memref<1x300x256xf32, #tpu.memory_space<vmem>>, vector<1x300x256xf32>
      %get3A_58 = vector.shape_cast %get3A_57 : vector<1x300x256xf32> to vector<300x256xf32>
      %add3A_59 = arith.addf %get3A_58, %dot_general3A_47 : vector<300x256xf32>
      %swap3A = arith.constant 0 : index
      %swap3A_60 = arith.constant 0 : index
      %swap3A_61 = arith.constant 0 : index
      %swap3A_62 = vector.load %arg6[%swap3A, %swap3A_60, %swap3A_61] : memref<1x300x256xf32, #tpu.memory_space<vmem>>, vector<1x300x256xf32>
      %swap3A_63 = vector.shape_cast %swap3A_62 : vector<1x300x256xf32> to vector<300x256xf32>
      %swap3A_64 = vector.shape_cast %add3A_59 : vector<300x256xf32> to vector<1x300x256xf32>
      tpu.vector_store %arg6[%swap3A, %swap3A_60, %swap3A_61], %swap3A_64 {strides = array<i32>} : memref<1x300x256xf32, #tpu.memory_space<vmem>>, vector<1x300x256xf32>,
    } else {
    }
    return
  }
  func.func @transform_0(%arg0: i32, %arg1: i32) -> (i32, i32, i32, i32, i32) {
    %c0_i32 = arith.constant 0 : i32
    %c0_i32_0 = arith.constant 0 : i32
    %c0_i32_1 = arith.constant 0 : i32
    %c0_i32_2 = arith.constant 0 : i32
    return %arg0, %arg1, %c0_i32, %c0_i32_0, %c0_i32_1 : i32, i32, i32, i32, i32
  }
  func.func @transform_1(%arg0: i32, %arg1: i32) -> (i32, i32, i32, i32, i32) {
    %c0_i32 = arith.constant 0 : i32
    %c0_i32_0 = arith.constant 0 : i32
    %c0_i32_1 = arith.constant 0 : i32
    %c0_i32_2 = arith.constant 0 : i32
    return %arg0, %arg1, %c0_i32, %c0_i32_0, %c0_i32_1 : i32, i32, i32, i32, i32
  }
  func.func @transform_2(%arg0: i32, %arg1: i32) -> (i32, i32, i32) {
    %c0_i32 = arith.constant 0 : i32
    %c0_i32_0 = arith.constant 0 : i32
    %c0_i32_1 = arith.constant 0 : i32
    return %arg1, %c0_i32, %c0_i32_0 : i32, i32, i32
  }
  func.func @transform_3(%arg0: i32, %arg1: i32) -> (i32, i32) {
    %c0_i32 = arith.constant 0 : i32
    %c0_i32_0 = arith.constant 0 : i32
    %c0_i32_1 = arith.constant 0 : i32
    return %c0_i32, %c0_i32_0 : i32, i32
  }
  func.func @transform_4(%arg0: i32, %arg1: i32) -> (i32, i32, i32) {
    %c0_i32 = arith.constant 0 : i32
    %c0_i32_0 = arith.constant 0 : i32
    %c0_i32_1 = arith.constant 0 : i32
    return %arg0, %c0_i32, %c0_i32_0 : i32, i32, i32
  }
}

</mosaic_0001>

<sc_bundles>
// kernel: kernel.6.cloned.1.call-start
scs
__scs_entry_jumppad:
0x0: {  	(pc) =	sbr.rel $0x88, $3  }
0x1: {  	(tag) =	ssettag $0x0;
	lr =	simm.s32 $0x1  }
0x2: {  	[smem:$0x3F96] =	sst lr;
	_ =	strace $0xD0000000  }
0x3: {  	_ = 	snop  }
0x4: {  	_ = 	snop  }
0x5: {  	_ = 	snop  }
0x6: {  	_ = 	snop  }
0x7: {  	_ = 	snop  }
__scs_overlays_trampoline_lowered:
0x8: {  	[smem:$0x3FA5] =	sst s0  }
0x9: {  	[smem:$0x3FA6] =	sst s1  }
0xa: {  	[smem:$0x3FA7] =	sst s2  }
0xb: {  	[smem:$0x3FA8] =	sst s3  }
0xc: {  	[smem:$0x3FA9] =	sst s4  }
0xd: {  	[smem:$0x3FAA] =	sst s5  }
0xe: {  	[smem:$0x3FAB] =	sst s6  }
0xf: {  	[smem:$0x3FAC] =	sst s7  }
0x10: {  	[smem:$0x3FAD] =	sst s8  }
0x11: {  	[smem:$0x3FAE] =	sst s9;
	s0 =	simm.s32 @!p0 $0x0  }
0x12: {  	s1 =	sld [smem:$0x3F94];
	s0 =	simm.s32 @p0 $0x1  }
0x13: {  	[smem:$0x3FAF] =	sst s0;
	s0 =	simm.s32 @!p1 $0x0  }
0x14: {  	s2 =	sld [smem:$0x3F93];
	s0 =	simm.s32 @p1 $0x1  }
0x15: {  	[smem:$0x3FB0] =	sst s0;
	s0 =	simm.s32 @!p2 $0x0  }
0x16: {  	s3 =	sld [smem:$0x3FDB];
	s0 =	simm.s32 @p2 $0x1  }
0x17: {  	s4 =	simm.s32 $0x1BF5;
	[smem:$0x3FB2] =	sst s0  }
0x18: {  	s0 =	sld [smem:$0x3F95];
	_ =	swait.ge [sflag:s4], $0x0  }
0x19: {  	s7 =	sld [smem:$0x3F96]  }
0x1a: {  	s8 =	sadd.s32 $0xFFFFE003, lr  }
0x1b: {  	s9 =	sadd.s32 $0xFFFFFEF7, lr;
	s5 =	simm.s32 $0xFFFFFFFF;
	p2 =	slt.u32 s8, $0xFFFFF086  }
0x1c: {  	p1 =	slt.u32 s9, $0xF7A;
	s5 =	simm.s32 @!p2 $0x0  }
0x1d: {  	s5 =	simm.s32 @p1 $0x1;
	p0 =	seq.s32 s7, s2  }
0x1e: {  	s7 =	smul.u32 @!p0 $0xF7A, s2;
	p2 =	seq.s32 @!p0 s5, $0x0  }
0x1f: {  	s9 =	smul.u32 $0xF7A, s1;
	s8 =	simm.s32 @!p0 $0x1BF5;
	p2 =	por !p2, p0  }
0x20: {  	[sflag:s8] =	ssyncset.s32 @!p0 $0xFFFFF086;
	s6 =	sadd.s32 @!p0 s3, s7;
	s7 =	simm.s32 @!p0 $0x108  }
0x21: {  	s3 =	sadd.s32 s3, s9;
	s6 =	sadd.s32 @!p0 $0x88, s6;
	s7 =	simm.s32 @p2 $0x1082  }
0x22: {  	[simem:s7], [sflag:s8] =	dma.local @!p0 [hbm:s6], $0xF7A  }
0x23: {  	s9 =	sor.u32 $0xD0000000, s2;
	s6 =	simm.s32 $0x108;
	_ =	swait.ge @!p0 [sflag:s8], $0x0  }
0x24: {  	s3 =	sadd.s32 $0x88, s3;
	s6 =	simm.s32 @!p1 $0x1082;
	[sflag:s4] =	ssyncset.s32 $0xFFFFF086  }
0x25: {  	[simem:s6], [sflag:s4] =	dma.local [hbm:s3], $0xF7A  }
0x26: {  	[smem:$0x3F96] =	sst s1;
	(tag) =	ssettag s2;
	_ =	strace s9  }
0x27: {  	s1 =	sld [smem:$0x3FA6]  }
0x28: {  	s2 =	sld [smem:$0x3FA7]  }
0x29: {  	s4 =	sld [smem:$0x3FA9]  }
0x2a: {  	p0 =	seq.s32 s5, $0x0;
	s5 =	sld [smem:$0x3FAA]  }
0x2b: {  	s6 =	sld [smem:$0x3FAB]  }
0x2c: {  	s7 =	sld [smem:$0x3FAC]  }
0x2d: {  	s3 =	simm.s32 $0x108;
	s8 =	sld [smem:$0x3FAD]  }
0x2e: {  	s3 =	simm.s32 @!p0 $0x1082;
	s9 =	sld [smem:$0x3FAE]  }
0x2f: {  	lr =	sadd.s32 s0, s3;
	s0 =	sld [smem:$0x3FA5]  }
0x30: {  	s3 =	sld [smem:$0x3FA8]  }
0x31: {  	[smem:$0x3FB1] =	sst s10  }
0x32: {  	s10 =	sld [smem:$0x3FAF];
	_ =	sdelay $0x3  }
0x33: {  	p0 =	seq.s32 s10, $0x1;
	s10 =	sld [smem:$0x3FB1];
	_ =	sdelay $0x3  }
0x34: {  	[smem:$0x3FB1] =	sst s10  }
0x35: {  	s10 =	sld [smem:$0x3FB0];
	_ =	sdelay $0x3  }
0x36: {  	p1 =	seq.s32 s10, $0x1;
	s10 =	sld [smem:$0x3FB1];
	_ =	sdelay $0x3  }
0x37: {  	[smem:$0x3FB1] =	sst s10  }
0x38: {  	s10 =	sld [smem:$0x3FB2]  }
0x39: {  	_ = 	snop;
	(pc) =	sbr.ind lr, $3  }
0x3a: {  	_ = 	snop  }
0x3b: {  	_ = 	snop  }
0x3c: {  	p2 =	seq.s32 s10, $0x1;
	s10 =	sld [smem:$0x3FB1]  }
0x3d: {  	_ =	shalt  }
0x3e: {  	_ =	shalt  }
0x3f: {  	_ =	shalt  }
0x40: {  	_ =	shalt  }
0x41: {  	_ =	shalt  }
0x42: {  	_ =	shalt  }
0x43: {  	_ =	shalt  }
0x44: {  	_ =	shalt  }
0x45: {  	_ =	shalt  }
0x46: {  	_ =	shalt  }
0x47: {  	_ =	shalt  }
0x48: {  	_ =	shalt  }
0x49: {  	_ =	shalt  }
0x4a: {  	_ =	shalt  }
0x4b: {  	_ =	shalt  }
0x4c: {  	_ =	shalt  }
0x4d: {  	_ =	shalt  }
0x4e: {  	_ =	shalt  }
0x4f: {  	_ =	shalt  }
0x50: {  	_ =	shalt  }
0x51: {  	_ =	shalt  }
0x52: {  	_ =	shalt  }
0x53: {  	_ =	shalt  }
0x54: {  	_ =	shalt  }
0x55: {  	_ =	shalt  }
0x56: {  	_ =	shalt  }
0x57: {  	_ =	shalt  }
0x58: {  	_ =	shalt  }
0x59: {  	_ =	shalt  }
0x5a: {  	_ =	shalt  }
0x5b: {  	_ =	shalt  }
0x5c: {  	_ =	shalt  }
0x5d: {  	_ =	shalt  }
0x5e: {  	_ =	shalt  }
0x5f: {  	_ =	shalt  }
0x60: {  	_ =	shalt  }
0x61: {  	_ =	shalt  }
0x62: {  	_ =	shalt  }
0x63: {  	_ =	shalt  }
0x64: {  	_ =	shalt  }
0x65: {  	_ =	shalt  }
0x66: {  	_ =	shalt  }
0x67: {  	_ =	shalt  }
0x68: {  	_ =	shalt  }
0x69: {  	_ =	shalt  }
0x6a: {  	_ =	shalt  }
0x6b: {  	_ =	shalt  }
0x6c: {  	_ =	shalt  }
0x6d: {  	_ =	shalt  }
0x6e: {  	_ =	shalt  }
0x6f: {  	_ =	shalt  }
0x70: {  	_ =	shalt  }
0x71: {  	_ =	shalt  }
0x72: {  	_ =	shalt  }
0x73: {  	_ =	shalt  }
0x74: {  	_ =	shalt  }
0x75: {  	_ =	shalt  }
0x76: {  	_ =	shalt  }
0x77: {  	_ =	shalt  }
0x78: {  	_ =	shalt  }
0x79: {  	_ =	shalt  }
0x7a: {  	_ =	shalt  }
0x7b: {  	_ =	shalt  }
0x7c: {  	_ =	shalt  }
0x7d: {  	_ =	shalt  }
0x7e: {  	_ =	shalt  }
0x7f: {  	_ =	shalt  }
0x80: {  	_ =	shalt  }
0x81: {  	_ =	shalt  }
0x82: {  	_ =	shalt  }
0x83: {  	_ =	shalt  }
0x84: {  	_ =	shalt  }
0x85: {  	_ =	shalt  }
0x86: {  	_ =	shalt  }
0x87: {  	_ =	shalt  }
.Lfunc_end0:
.L_simem_size_0:
called_computation.1_lowered:
.L_overlay_start_0:
0x88: {  	s2 =	sld [smem:$0x3FD9]  }
0x89: {  	s3 =	sld [smem:$0x3FFE];
	_ =	sdelay $0x1  }
0x8a: {  	s1 =	srdreg.scid  }
0x8b: {  	s0 =	sand.u32 $0x1, s1  }
0x8c: {  	s16 =	sshll.u32 s0, $0xA;
	s2 =	sadd.s32 s3, s2  }
0x8d: {  	s2 =	sadd.s32 s2, s16  }
0x8e: {  	[smem:$0x3FBD] =	sst s2  }
0x8f: {  	_ = 	snop  }
0x90: {  	(tm) =	ssettm $0x1  }
0x91: {  	s17 =	sld [smem:$0x3FFB];
	_ =	sdelay $0x3  }
0x92: {  	_ =	strace s17  }
0x93: {  	s2 =	sld [smem:$0x3FFC];
	_ =	sdelay $0x3  }
0x94: {  	_ =	strace s2  }
0x95: {  	s2 =	sld [smem:$0x3FFD];
	_ =	sdelay $0x3  }
0x96: {  	_ =	strace s2  }
0x97: {  	_ =	strace $0x8FFFFFFF  }
0x98: {  	s18 =	sld [smem:$0x3FDB];
	_ =	sdelay $0x1  }
0x99: {  	s19 =	simm.s32 $_scs_section_size  }
0x9a: {  	s4 =	simm.s32 $_size__tile_overlayer_lowered;
	s5 =	simm.s32 $_tile_overlayer_lowered  }
0x9b: {  	s22 =	simm.s32 $0x1BFF;
	s21 =	sshll.u32 s5, $0x1;
	s2 =	sadd.s32 s19, s18  }
0x9c: {  	s6 =	simm.s32 $0x0;
	s20 =	sshll.u32 s4, $0x1;
	s4 =	sadd.s32 s21, s2  }
0x9d: {  	[timem:s6], [sflag:s22] =	dma.local [hbm:s4], s20  }
0x9e: {  	_ =	swait.ge [sflag:s22], s20  }
0x9f: {  	s3 =	ssub.s32 $0x0, s20;
	[sflag:s22] =	ssyncset.done $0x0  }
0xa0: {  	[sflag:s22] =	ssyncadd.s32 s3;
	_ =	sdelay $0x1  }
0xa1: {  	s23 =	simm.s32 $0x1B8B  }
0xa2: {  	_ =	swait.ge [sflag:s23], $0x1  }
0xa3: {  	[sflag:s23] =	ssyncset.done $0x0  }
0xa4: {  	s25 =	simm.s32 $0x1B8E;
	s24 =	sld [smem:$0x3FFE];
	[sflag:s23] =	ssyncadd.s32 $0xFFFFFFFF  }
0xa5: {  	s26 =	simm.s32 $execute0_lowered;
	[smem:$0x3FD2] =	sst s25  }
0xa6: {  	s4 =	sshll.u32 s26, $0x1;
	_ =	strace $0x80000049;
	[dreg:$0x1] =	wrdreg $0xFFFFFFFF  }
0xa7: {  	s28 =	simm.s32 $_size_execute0_lowered;
	s2 =	sadd.s32 s2, s4;
	[dreg:$0x0] =	wrdreg $0x0  }
0xa8: {  	s4 =	sshll.u32 s28, $0x1;
	[dreg:$0x2] =	wrdreg s2  }
0xa9: {  	[dreg:$0x3] =	wrdreg s4  }
0xaa: {  	[dreg:$0x4] =	wrdreg $0xC0  }
0xab: {  	_ =	task [dreg:s6], $0x5FFFF  }
0xac: {  	[dreg:$0x1] =	wrdreg $0xFFFFFFFF  }
0xad: {  	[dreg:$0x0] =	wrdreg $0x60  }
0xae: {  	[dreg:$0x2] =	wrdreg s24  }
0xaf: {  	[dreg:$0x3] =	wrdreg $0x9  }
0xb0: {  	_ =	task.clear_ibuf [dreg:s6], $0x4FFFF;
	_ =	strace $0x90000049  }
0xb1: {  	s29 =	simm.s32 $0x9;
	_ =	strace $0x8000004B  }
0xb2: {  	_ =	swait.ge [sflag:s29], $0x1  }
0xb3: {  	[sflag:s29] =	ssyncadd.s32 $0xFFFFFFFF  }
0xb4: {  	_ =	strace $0x9000004B  }
0xb5: {  	_ =	sfence  }
0xb6: {  	s30 =	sld [smem:$0x0];
	_ =	sdelay $0x2  }
0xb7: {  	s31 =	sshll.u32 s1, $0xD;
	s1 =	sshrl.u32 s1, $0x2  }
0xb8: {  	s3 =	sand.u32 $0x4000, s31;
	s1 =	sadd.s32 s1, s30  }
0xb9: {  	s0 =	sor.u32 s3, s0;
	s1 =	sshll.u32 s1, $0x11  }
0xba: {  	s0 =	sor.u32 s1, s0  }
0xbb: {  	s0 =	sadd.s32 $0x8F2B, s0  }
0xbc: {  	[sflag:s0] =	ssyncadd.remote.s32 $0x1  }
0xbd: {  	_ =	sfence.sel $0xFFFF  }
0xbe: {  	[dreg:$0x0] =	wrdreg $0xFFFFFFFF;
	(pc) =	sbr.abs _section_cstart, $3  }
0xbf: {  	[dreg:$0x1] =	wrdreg $0xFFFFFFFF  }
0xc0: {  	_ =	task.clear_ibuf [dreg:s6], $0x2FFFF;
	_ =	strace $0x9FFFFFFF  }
0xc1: {  	(tm) =	ssettm $0x7FFFFFFF  }
tec
execute0_lowered:
.L_overlay_start_1:
0x0: {  	(tag) =	ssettag $0x1  }
0x1: {  	s4 =	rddreg [dreg:$0x0]  }
0x2: {  	s0 =	rddreg [dreg:$0x1]  }
0x3: {  	s3 =	srdreg.scid;
	s1 =	stileid.u32  }
0x4: {  	s2 =	simm.s32 $0x0;
	s14 =	simm.s32 $0xA600;
	s10 =	smul.u32 $0x258000, s1  }
0x5: {  	s15 =	simm.s32 $0x2;
	s5 =	sand.u32 $0x1, s3;
	s25 =	smul.u32 $0x12C00, s1  }
0x6: {  	s16 =	simm.s32 $0x9580;
	s24 =	sshll.u32 s1, $0x1;
	s12 =	smul.u32 $0x12C000, s5  }
0x7: {  	s17 =	simm.s32 $0x0;
	s6 =	sor.u32 s5, s24;
	s28 =	smul.u32 $0x9600, s5  }
0x8: {  	[smem:$0x7FF] =	sst s2;
	s3 =	sadd.s32 $0x552800, s4;
	s7 =	smul.u32 $0x9600, s6  }
0x9: {  	s13 =	sadd.s32 $0xAD2800, s4;
	s9 =	ssub.s32 $0x2, s5;
	s8 =	smul.u32 $0x12C000, s6  }
0xa: {  	_ =	strace $0x8000004A;
	s11 =	sshrl.u32 s9, $0x1;
	s29 =	smul.u32 $0x25800, s6  }
0xb: {  	s9 =	ssub.s32 s9, s11;
	s30 =	sadd.s32 s12, s10;
	s12 =	simm.s32 $0x9600  }
0xc: {  	s7 =	sshrl.u32 s7, $0x3;
	s26 =	sshrl.u32 s8, $0x3;
	s5 =	smax.u32 s9, $0x1  }
0xd: {  	s8 =	sadd.s32 s28, s25;
	s9 =	sadd.s32 s13, s29;
	s10 =	sshrl.u32 s30, $0x3  }
0xe: {  	s7 =	sadd.s32 s7, s4;
	s11 =	sshll.u32 s8, $0x2;
	s8 =	sadd.s32 s10, s13  }
0xf: {  	s10 =	simm.s32 $0x3;
	s4 =	sadd.s32 $0xF82800, s7;
	s7 =	sadd.s32 s13, s26  }
0x10: {  	s31 =	sadd.s32 s11, s13;
	s11 =	simm.s32 $0x80;
	s13 =	simm.s32 $0x1  }
0x11: {  	s6 =	sadd.s32 $0x25400, s7;
	s7 =	sadd.s32 $0x25600, s9;
	s9 =	sadd.s32 $0x200, s31  }
.LBB2_1:
0x12: {  	[tilespmem:s2], [sflag:$0x3] =	stream.linear.gather [hbm4b:s4+s2], $0x9600, $0x38;
	[tilespmem:$0xB600] =	vst v63  }
0x13: {  	_ =	swait.ge [sflag:s10], $0x9600  }
0x14: {  	[sflag:s10] =	ssyncset.done $0x0  }
0x15: {  	[sflag:s10] =	ssyncadd.s32 $0xFFFF6A00  }
0x16: {  	[tilespmem:s12], [sflag:$0x1] =	stream.indirect.gather [hbm4b:s3+s11], $0x20, s2, s11, $0xb8;
	[tilespmem:$0xB600] =	vst v63  }
0x17: {  	_ =	swait.ge [sflag:s13], $0x1000  }
0x18: {  	[sflag:s13] =	ssyncset.done $0x0  }
0x19: {  	s18 =	simm.s32 $0x80;
	[sflag:s13] =	ssyncadd.s32 $0xFFFFF000  }
0x1a: {  	[tilespmem:s14], [sflag:$0x2] =	stream.indirect.gather [hbm4b:s3+s11], $0x20, s18, s11, $0xb8;
	[tilespmem:$0xB600] =	vst v63  }
0x1b: {  	s29 =	sadd.s32 $0x0, s8  }
0x1c: {  	[hbm4b:s29+s2] =	stream.linear.scatter [tilespmem:s12], [sflag:$0x3], $0x1000, $0x38;
	[tilespmem:$0xB600] =	vst v63  }
0x1d: {  	_ =	swait.ge [sflag:s10], $0x1000  }
0x1e: {  	[sflag:s10] =	ssyncset.done $0x0  }
0x1f: {  	[sflag:s10] =	ssyncadd.s32 $0xFFFFF000  }
0x20: {  	_ =	swait.ge [sflag:s15], $0x1000  }
0x21: {  	[sflag:s15] =	ssyncset.done $0x0  }
0x22: {  	s30 =	simm.s32 $0x100;
	[sflag:s15] =	ssyncadd.s32 $0xFFFFF000  }
0x23: {  	[tilespmem:s12], [sflag:$0x1] =	stream.indirect.gather [hbm4b:s3+s11], $0x20, s30, s11, $0xb8;
	[tilespmem:$0xB600] =	vst v63  }
0x24: {  	s31 =	sadd.s32 $0x0, s9  }
0x25: {  	[hbm4b:s31+s2] =	stream.linear.scatter [tilespmem:s14], [sflag:$0x3], $0x1000, $0x38;
	[tilespmem:$0xB600] =	vst v63  }
0x26: {  	_ =	swait.ge [sflag:s10], $0x1000  }
0x27: {  	s18 =	simm.s32 $0x400;
	[sflag:s10] =	ssyncset.done $0x0  }
.LBB2_2:
0x28: {  	p0 =	sne.s32 s18, $0x25000  }
0x29: {  	[sflag:s10] =	ssyncadd.s32 $0xFFFFF000;
	s19 =	smov.u32 s18;
	s18 =	sadd.s32 $0x400, s18  }
0x2a: {  	_ = 	snop  }
0x2b: {  	_ =	swait.ge [sflag:s13], $0x1000  }
0x2c: {  	s20 =	sshra.s32 s19, $0x2;
	[sflag:s13] =	ssyncset.done $0x0  }
0x2d: {  	s21 =	sadd.s32 $0x80, s20;
	[sflag:s13] =	ssyncadd.s32 $0xFFFFF000  }
0x2e: {  	[tilespmem:s14], [sflag:$0x2] =	stream.indirect.gather [hbm4b:s3+s11], $0x20, s21, s11, $0xb8;
	[tilespmem:$0xB600] =	vst v63  }
0x2f: {  	s21 =	sadd.s32 s19, s8  }
0x30: {  	[hbm4b:s21+s2] =	stream.linear.scatter [tilespmem:s12], [sflag:$0x3], $0x1000, $0x38;
	[tilespmem:$0xB600] =	vst v63  }
0x31: {  	_ =	swait.ge [sflag:s10], $0x1000  }
0x32: {  	[sflag:s10] =	ssyncset.done $0x0  }
0x33: {  	[sflag:s10] =	ssyncadd.s32 $0xFFFFF000  }
0x34: {  	_ =	swait.ge [sflag:s15], $0x1000  }
0x35: {  	[sflag:s15] =	ssyncset.done $0x0  }
0x36: {  	s20 =	sadd.s32 $0x100, s20;
	[sflag:s15] =	ssyncadd.s32 $0xFFFFF000  }
0x37: {  	[tilespmem:s12], [sflag:$0x1] =	stream.indirect.gather [hbm4b:s3+s11], $0x20, s20, s11, $0xb8;
	[tilespmem:$0xB600] =	vst v63  }
.Ltmp0:
0x38: {  	_ = 	snop;
	(pc) =	sbr.rel @p0 .LBB2_2-.Ltmp0, $4  }
0x39: {  	s19 =	sadd.s32 s19, s9  }
0x3a: {  	[hbm4b:s19+s2] =	stream.linear.scatter [tilespmem:s14], [sflag:$0x3], $0x1000, $0x38;
	[tilespmem:$0xB600] =	vst v63  }
0x3b: {  	_ =	swait.ge [sflag:s10], $0x1000  }
0x3c: {  	[sflag:s10] =	ssyncset.done $0x0  }
0x3d: {  	[sflag:s10] =	ssyncadd.s32 $0xFFFFF000  }
0x3e: {  	_ =	swait.ge [sflag:s13], $0x1000  }
0x3f: {  	[sflag:s13] =	ssyncset.done $0x0  }
0x40: {  	[sflag:s13] =	ssyncadd.s32 $0xFFFFF000  }
0x41: {  	[tilespmem:s14], [sflag:$0x2] =	stream.indirect.gather [hbm4b:s3+s11], $0x20, s16, s11, $0xb8;
	[tilespmem:$0xB600] =	vst v63  }
0x42: {  	_ = 	snop  }
0x43: {  	[hbm4b:s6+s2] =	stream.linear.scatter [tilespmem:s12], [sflag:$0x3], $0x1000, $0x38;
	[tilespmem:$0xB600] =	vst v63  }
0x44: {  	_ =	swait.ge [sflag:s10], $0x1000  }
0x45: {  	[sflag:s10] =	ssyncset.done $0x0  }
0x46: {  	[sflag:s10] =	ssyncadd.s32 $0xFFFFF000  }
0x47: {  	s17 =	sadd.s32 $0x1, s17;
	_ =	swait.ge [sflag:s15], $0x1000  }
0x48: {  	p0 =	sne.s32 s17, s5;
	[sflag:s15] =	ssyncset.done $0x0  }
.Ltmp1:
0x49: {  	[sflag:s15] =	ssyncadd.s32 $0xFFFFF000;
	(pc) =	sbr.rel @p0 .LBB2_1-.Ltmp1, $4  }
0x4a: {  	[hbm4b:s7+s2] =	stream.linear.scatter [tilespmem:s14], [sflag:$0x3], $0x1000, $0x38;
	[tilespmem:$0xB600] =	vst v63  }
0x4b: {  	_ =	swait.ge [sflag:s10], $0x1000  }
0x4c: {  	[sflag:s10] =	ssyncset.done $0x0  }
0x4d: {  	[sflag:s10] =	ssyncadd.s32 $0xFFFFF000  }
0x4e: {  	_ =	sfence.sel $0x180000  }
0x4f: {  	[bflag:$0x0] =	sbarrier.arrive $0xFFFF  }
0x50: {  	p0 =	sne.s32 s1, $0x0;
	_ =	strace $0x9000004A  }
0x51: {  	s0 =	sadd.s32 @!p0 $0x100000, s0;
	[bflag:$0x2] =	sbarrier.arrive $0xFFFF  }
0x52: {  	[sflag:s0] =	ssyncadd.tile.s32 @!p0 $0x1;
	_ =	shalt  }
.Lfunc_end2:
_tile_overlayer_lowered:
.L_overlay_start_2:
0x53: {  	(tag) =	ssettag $0x2  }
0x54: {  	s0 =	rddreg [dreg:$0x0];
	s2 =	stileid.u32  }
0x55: {  	s1 =	rddreg [dreg:$0x1];
	p0 =	sne.s32 s2, $0x0  }
0x56: {  	s3 =	rddreg [dreg:$0x2];
	[bflag:$0x3] =	sbarrier.arrive $0xFFFF;
	s2 =	simm.s32 @!p0 $0x1C03  }
0x57: {  	[timem:s3], [sflag:s2] =	dma.local @!p0 [hbm:s0], s1  }
0x58: {  	s0 =	simm.s32 @!p0 $0x3  }
0x59: {  	_ =	swait.ge @!p0 [sflag:s0], s1  }
0x5a: {  	s1 =	ssub.s32 @!p0 $0x0, s1;
	[sflag:s0] =	ssyncset.done @!p0 $0x0  }
0x5b: {  	[sflag:s0] =	ssyncadd.s32 @!p0 s1  }
0x5c: {  	[bflag:$0x3] =	sbarrier.arrive $0xFFFF  }
0x5d: {  	_ =	shalt  }

// kernel: sparse-core-data-format-call.cloned.1.call-start
scs
called_computation_lowered:
.L_overlay_start_0:
0x0: {  	s1 =	sld [smem:$0x3FD9]  }
0x1: {  	s2 =	sld [smem:$0x3FFE];
	_ =	sdelay $0x1  }
0x2: {  	s3 =	srdreg.scid  }
0x3: {  	s0 =	sand.u32 $0x1, s3  }
0x4: {  	s17 =	sshll.u32 s0, $0xA;
	s1 =	sadd.s32 s2, s1  }
0x5: {  	s1 =	sadd.s32 s1, s17  }
0x6: {  	[smem:$0x3FBD] =	sst s1  }
0x7: {  	_ = 	snop  }
0x8: {  	(tm) =	ssettm $0x1  }
0x9: {  	s18 =	sld [smem:$0x3FFB];
	_ =	sdelay $0x3  }
0xa: {  	_ =	strace s18  }
0xb: {  	s1 =	sld [smem:$0x3FFC];
	_ =	sdelay $0x3  }
0xc: {  	_ =	strace s1  }
0xd: {  	s1 =	sld [smem:$0x3FFD];
	_ =	sdelay $0x3  }
0xe: {  	_ =	strace s1  }
0xf: {  	_ =	strace $0x8FFFFFFF  }
0x10: {  	s19 =	sld [smem:$0x3FDB];
	_ =	sdelay $0x1  }
0x11: {  	s20 =	simm.s32 $_scs_section_size  }
0x12: {  	s4 =	simm.s32 $_size__tile_overlayer_lowered;
	s5 =	simm.s32 $_tile_overlayer_lowered  }
0x13: {  	s23 =	simm.s32 $0x1BFF;
	s22 =	sshll.u32 s5, $0x1;
	s1 =	sadd.s32 s20, s19  }
0x14: {  	s6 =	simm.s32 $0x0;
	s21 =	sshll.u32 s4, $0x1;
	s4 =	sadd.s32 s22, s1  }
0x15: {  	[timem:s6], [sflag:s23] =	dma.local [hbm:s4], s21  }
0x16: {  	_ =	swait.ge [sflag:s23], s21  }
0x17: {  	s2 =	ssub.s32 $0x0, s21;
	[sflag:s23] =	ssyncset.done $0x0  }
0x18: {  	[sflag:s23] =	ssyncadd.s32 s2;
	_ =	sdelay $0x1  }
0x19: {  	s24 =	simm.s32 $0x1B8B  }
0x1a: {  	_ =	swait.ge [sflag:s24], $0x1  }
0x1b: {  	[sflag:s24] =	ssyncset.done $0x0  }
0x1c: {  	s26 =	simm.s32 $0x1B8E;
	s25 =	sld [smem:$0x3FFE];
	[sflag:s24] =	ssyncadd.s32 $0xFFFFFFFF  }
0x1d: {  	s27 =	simm.s32 $execute0_lowered;
	[smem:$0x3FD2] =	sst s26  }
0x1e: {  	s4 =	sshll.u32 s27, $0x1;
	_ =	strace $0x80000046;
	[dreg:$0x1] =	wrdreg $0xFFFFFFFF  }
0x1f: {  	s28 =	simm.s32 $_size_execute0_lowered;
	s1 =	sadd.s32 s1, s4;
	[dreg:$0x0] =	wrdreg $0x0  }
0x20: {  	s4 =	sshll.u32 s28, $0x1;
	[dreg:$0x2] =	wrdreg s1  }
0x21: {  	[dreg:$0x3] =	wrdreg s4  }
0x22: {  	[dreg:$0x4] =	wrdreg $0xC0  }
0x23: {  	_ =	task [dreg:s6], $0x5FFFF  }
0x24: {  	[dreg:$0x1] =	wrdreg $0xFFFFFFFF  }
0x25: {  	[dreg:$0x0] =	wrdreg $0x60  }
0x26: {  	[dreg:$0x2] =	wrdreg s25  }
0x27: {  	[dreg:$0x3] =	wrdreg $0x9  }
0x28: {  	_ =	task.clear_ibuf [dreg:s6], $0x4FFFF;
	_ =	strace $0x90000046  }
0x29: {  	s29 =	simm.s32 $0x9;
	_ =	strace $0x80000048  }
0x2a: {  	_ =	swait.ge [sflag:s29], $0x1  }
0x2b: {  	[sflag:s29] =	ssyncadd.s32 $0xFFFFFFFF  }
0x2c: {  	_ =	strace $0x90000048  }
0x2d: {  	_ =	sfence  }
0x2e: {  	s30 =	sld [smem:$0x0];
	_ =	sdelay $0x2  }
0x2f: {  	s31 =	sshll.u32 s3, $0xD;
	s3 =	sshrl.u32 s3, $0x2  }
0x30: {  	s2 =	sand.u32 $0x4000, s31;
	s1 =	sadd.s32 s3, s30  }
0x31: {  	s0 =	sor.u32 s2, s0;
	s1 =	sshll.u32 s1, $0x11  }
0x32: {  	s0 =	sor.u32 s1, s0  }
0x33: {  	s0 =	sadd.s32 $0x8F2B, s0  }
0x34: {  	[sflag:s0] =	ssyncadd.remote.s32 $0x1  }
0x35: {  	_ =	sfence.sel $0xFFFF  }
0x36: {  	[dreg:$0x0] =	wrdreg $0xFFFFFFFF;
	(pc) =	sbr.abs _section_cstart, $3  }
0x37: {  	[dreg:$0x1] =	wrdreg $0xFFFFFFFF  }
0x38: {  	_ =	task.clear_ibuf [dreg:s6], $0x2FFFF;
	_ =	strace $0x9FFFFFFF  }
0x39: {  	(tm) =	ssettm $0x7FFFFFFF  }
tec
execute0_lowered:
.L_overlay_start_1:
0x0: {  	(tag) =	ssettag $0x1  }
0x1: {  	s0 =	srdreg.scid  }
0x2: {  	s1 =	sshll.u32 s0, $0x4  }
0x3: {  	s4 =	rddreg [dreg:$0x0];
	s0 =	stileid.u32;
	s1 =	sand.u32 $0x10, s1  }
0x4: {  	s7 =	simm.s32 $0x1;
	s8 =	simm.s32 $0x2;
	s1 =	sor.u32 s0, s1  }
0x5: {  	s9 =	simm.s32 $0x0;
	s12 =	simm.s32 $0x0;
	s2 =	sshll.u32 s1, $0x3  }
0x6: {  	s11 =	simm.s32 $0x0;
	s3 =	sadd.s32 $0x2800, s4;
	s6 =	ssub.s32 $0x5500, s2  }
.Ltmp0:
0x7: {  	s4 =	sadd.s32 $0x552800, s4;
	s5 =	sand.u32 $0xF8, s6;
	(pc) =	sbr.rel .LBB1_1-.Ltmp0, $4  }
0x8: {  	s1 =	rddreg [dreg:$0x1];
	_ =	strace $0x80000047;
	p0 =	sne.s32 s5, $0x0  }
0x9: {  	s6 =	sshrl.u32 s6, $0x8;
	s5 =	simm.s32 $0x1;
	s7 =	simm.s32 @!p0 $0x0  }
0xa: {  	s10 =	smov.u32 s2;
	[sflag:s5] =	ssyncpa.u1 $0x0;
	s6 =	sadd.s32 s7, s6  }
0xb: {  	[sflag:s8] =	ssyncpa.u1 $0x0;
	s8 =	simm.s32 $0x0;
	s7 =	sadd.s32 $0x1, s6  }
.LBB1_9:
0xc: {  	s14 =	sadd.s32 $0x100, s10  }
0xd: {  	p1 =	sgt.s32 s14, $0x54FF  }
0xe: {  	s14 =	smov.u32 @p1 s2;
	p1 =	sne.s32 s11, s7  }
.Ltmp1:
0xf: {  	p0 =	slt.u32 s11, $0x2;
	(pc) =	sbr.rel @!p1 .LBB1_10-.Ltmp1, $4  }
0x10: {  	s13 =	simm.s32 @!p0 $0x2  }
0x11: {  	s15 =	sadd.s32 $0x1, s11;
	_ =	swait.ge @!p0 [sflag:s13], $0x4000  }
0x12: {  	s12 =	smov.u32 s10;
	s9 =	sadd.s32 $0x4000, s9;
	[sflag:s13] =	ssyncset.done @!p0 $0x0  }
0x13: {  	s11 =	smov.u32 s15;
	s10 =	smov.u32 s14;
	[sflag:s13] =	ssyncadd.s32 @!p0 $0xFFFFC000  }
.LBB1_1:
0x14: {  	p0 =	sge.u32 s11, s6  }
0x15: {  	s13 =	sxor.u32 @!p0 $0xFFFFFFFF, s11  }
0x16: {  	s31 =	sadd.s32 $0xFFFFFFFF, s11;
	s14 =	sshll.u32 @!p0 s10, $0x8;
	s13 =	sshll.u32 @!p0 s13, $0xE  }
0x17: {  	s15 =	simm.s32 @!p0 $0x0;
	s14 =	sadd.s32 @!p0 s3, s14;
	s13 =	sand.u32 @!p0 $0x4000, s13  }
0x18: {  	[tilespmem:s13], [sflag:$0x1] =	stream.linear.gather @!p0 [hbm4b:s14+s15], $0x4000, $0x38;
	[tilespmem:$0x10000] =	vst v63  }
0x19: {  	p0 =	sge.u32 s31, s6  }
.Ltmp2:
0x1a: {  	_ = 	snop;
	(pc) =	sbr.rel @p0 .LBB1_9-.Ltmp2, $1  }
0x1b: {  	_ =	sdelay $0x3  }
0x1c: {  	s13 =	sshll.u32 s9, $0x2;
	_ =	swait.ge [sflag:s5], $0x4000;
	s14 =	sshll.u32 s11, $0xE  }
0x1d: {  	s16 =	simm.s32 $0x0;
	s17 =	simm.s32 $0x0;
	s15 =	sand.u32 $0x10000, s13  }
0x1e: {  	[sflag:s5] =	ssyncset.done $0x0;
	s31 =	sand.u32 $0x4000, s14;
	s14 =	sshrl.u32 s15, $0x2  }
0x1f: {  	[sflag:s5] =	ssyncadd.s32 $0xFFFFC000;
	s13 =	sor.u32 $0x8000, s31;
	s15 =	sor.u32 $0x8000, s14  }
.LBB1_3:
0x20: {  	s18 =	sshra.s32 s16, $0x2  }
0x21: {  	v0 =	vmov s18;
	_ =	sdelay $0x3  }
0x22: {  	p1 =	por $0x1, $0x1;
	s18 =	simm.s32 $0x0  }
.LBB1_4:
0x23: {  	_ = 	snop  }
0x24: {  	s19 =	sshll.u32 s18, $0xA  }
0x25: {  	s19 =	sand.u32 $0x3FFFFC00, s19  }
0x26: {  	s19 =	sadd.s32 s19, s14  }
0x27: {  	v5 =	vld.idx.msk [tilespmem:v0+s19+$0x70 ss:$0x1], $0xffff  }
0x28: {  	v6 =	vld.idx.msk [tilespmem:v0+s19+$0x10 ss:$0x1], $0xffff  }
0x29: {  	v7 =	vld.idx.msk [tilespmem:v0+s19+$0x20 ss:$0x1], $0xffff  }
0x2a: {  	s31 =	sshll.u32 s18, $0x7;
	v1 =	vld.idx.msk [tilespmem:v0+s19+$0x30 ss:$0x1], $0xffff  }
0x2b: {  	s18 =	sand.u32 $0x3FFFFF80, s31;
	v2 =	vld.idx.msk [tilespmem:v0+s19+$0x40 ss:$0x1], $0xffff  }
0x2c: {  	s18 =	sadd.s32 s18, s15;
	v3 =	vld.idx.msk [tilespmem:v0+s19+$0x50 ss:$0x1], $0xffff  }
0x2d: {  	v4 =	vld.idx.msk [tilespmem:v0+s19+$0x60 ss:$0x1], $0xffff;
	[tilespmem:v0+s18+$0x70 ss:$0x1] =	vst.idx.msk $0xffff, v5  }
0x2e: {  	v5 =	vld.idx.msk [tilespmem:v0+s19+$0x0 ss:$0x1], $0xffff;
	[tilespmem:v0+s18+$0x10 ss:$0x1] =	vst.idx.msk $0xffff, v6;
	s19 =	sadd.s32 $0x80, s19  }
0x2f: {  	p0 =	por p1, p1;
	s20 =	simm.s32 $0x6;
	[tilespmem:v0+s18+$0x20 ss:$0x1] =	vst.idx.msk $0xffff, v7;
	v6 =	vld.idx.msk [tilespmem:v0+s19+$0x70 ss:$0x1], $0xffff  }
.LBB1_5:
0x30: {  	p1 =	sne.s32 s20, $0x1;
	v7 =	vld.idx.msk [tilespmem:v0+s19+$0x10 ss:$0x1], $0xffff;
	[tilespmem:v0+s18+$0x30 ss:$0x1] =	vst.idx.msk $0xffff, v1  }
0x31: {  	v8 =	vld.idx.msk [tilespmem:v0+s19+$0x20 ss:$0x1], $0xffff;
	[tilespmem:v0+s18+$0x40 ss:$0x1] =	vst.idx.msk $0xffff, v2  }
0x32: {  	v1 =	vld.idx.msk [tilespmem:v0+s19+$0x30 ss:$0x1], $0xffff;
	[tilespmem:v0+s18+$0x50 ss:$0x1] =	vst.idx.msk $0xffff, v3  }
.Ltmp3:
0x33: {  	v2 =	vld.idx.msk [tilespmem:v0+s19+$0x40 ss:$0x1], $0xffff;
	[tilespmem:v0+s18+$0x60 ss:$0x1] =	vst.idx.msk $0xffff, v4;
	(pc) =	sbr.rel @p1 .LBB1_5-.Ltmp3, $4  }
0x34: {  	v3 =	vld.idx.msk [tilespmem:v0+s19+$0x50 ss:$0x1], $0xffff;
	[tilespmem:v0+s18+$0x0 ss:$0x1] =	vst.idx.msk $0xffff, v5;
	s18 =	sadd.s32 $0x100, s18  }
0x35: {  	v4 =	vld.idx.msk [tilespmem:v0+s19+$0x60 ss:$0x1], $0xffff;
	[tilespmem:v0+s18+$0x70 ss:$0x1] =	vst.idx.msk $0xffff, v6  }
0x36: {  	v5 =	vld.idx.msk [tilespmem:v0+s19+$0x0 ss:$0x1], $0xffff;
	[tilespmem:v0+s18+$0x10 ss:$0x1] =	vst.idx.msk $0xffff, v7;
	s19 =	sadd.s32 $0x80, s19  }
0x37: {  	s20 =	sadd.s32 $0xFFFFFFFF, s20;
	v6 =	vld.idx.msk [tilespmem:v0+s19+$0x70 ss:$0x1], $0xffff;
	[tilespmem:v0+s18+$0x20 ss:$0x1] =	vst.idx.msk $0xffff, v8  }
0x38: {  	_ =	sdelay $0x3  }
0x39: {  	[tilespmem:v0+s18+$0x30 ss:$0x1] =	vst.idx.msk $0xffff, v1  }
0x3a: {  	v1 =	vld.idx.msk [tilespmem:v0+s19+$0x10 ss:$0x1], $0xffff;
	[tilespmem:v0+s18+$0x40 ss:$0x1] =	vst.idx.msk $0xffff, v2  }
0x3b: {  	v2 =	vld.idx.msk [tilespmem:v0+s19+$0x20 ss:$0x1], $0xffff;
	[tilespmem:v0+s18+$0x50 ss:$0x1] =	vst.idx.msk $0xffff, v3  }
0x3c: {  	v61 =	vld.idx.msk [tilespmem:v0+s19+$0x40 ss:$0x1], $0xffff;
	[tilespmem:v0+s18+$0x60 ss:$0x1] =	vst.idx.msk $0xffff, v4  }
0x3d: {  	s31 =	sadd.s32 $0x100, s18;
	v62 =	vld.idx.msk [tilespmem:v0+s19+$0x50 ss:$0x1], $0xffff;
	[tilespmem:v0+s18+$0x0 ss:$0x1] =	vst.idx.msk $0xffff, v5  }
0x3e: {  	v63 =	vld.idx.msk [tilespmem:v0+s19+$0x60 ss:$0x1], $0xffff;
	[tilespmem:v0+s31+$0x70 ss:$0x1] =	vst.idx.msk $0xffff, v6  }
0x3f: {  	v3 =	vld.idx.msk [tilespmem:v0+s19+$0x30 ss:$0x1], $0xffff;
	[tilespmem:v0+s31+$0x10 ss:$0x1] =	vst.idx.msk $0xffff, v1  }
0x40: {  	v1 =	vld.idx.msk [tilespmem:v0+s19+$0x0 ss:$0x1], $0xffff;
	[tilespmem:v0+s31+$0x20 ss:$0x1] =	vst.idx.msk $0xffff, v2  }
.Ltmp4:
0x41: {  	[tilespmem:v0+s31+$0x40 ss:$0x1] =	vst.idx.msk $0xffff, v61;
	(pc) =	sbr.rel @p0 .LBB1_4-.Ltmp4, $4  }
0x42: {  	[tilespmem:v0+s31+$0x50 ss:$0x1] =	vst.idx.msk $0xffff, v62  }
0x43: {  	[tilespmem:v0+s31+$0x60 ss:$0x1] =	vst.idx.msk $0xffff, v63  }
0x44: {  	[tilespmem:v0+s31+$0x30 ss:$0x1] =	vst.idx.msk $0xffff, v3  }
0x45: {  	p1 =	por $0x0, $0x0;
	s18 =	simm.s32 $0x1;
	[tilespmem:v0+s31+$0x0 ss:$0x1] =	vst.idx.msk $0xffff, v1  }
0x46: {  	s17 =	sadd.s32 $0x1, s17  }
0x47: {  	p0 =	sne.s32 s17, $0x8  }
.Ltmp5:
0x48: {  	_ = 	snop;
	(pc) =	sbr.rel @p0 .LBB1_3-.Ltmp5, $2  }
0x49: {  	_ =	sdelay $0x2  }
0x4a: {  	s16 =	sadd.s32 $0x2000, s16  }
.Ltmp6:
0x4b: {  	(pc) =	sbr.rel .LBB1_9-.Ltmp6, $4  }
0x4c: {  	_ = 	snop  }
0x4d: {  	s12 =	sshll.u32 s12, $0x8  }
0x4e: {  	s12 =	sadd.s32 s4, s12  }
0x4f: {  	[hbm4b:s12+s8] =	stream.linear.scatter [tilespmem:s13], [sflag:$0x2], $0x4000, $0x38;
	[tilespmem:$0x10000] =	vst v63  }
.LBB1_10:
0x50: {  	_ =	sfence.sel $0x180000  }
0x51: {  	s2 =	simm.s32 $0x1;
	[bflag:$0x0] =	sbarrier.arrive $0xFFFF  }
0x52: {  	s31 =	simm.s32 $0x2;
	[sflag:s2] =	ssyncpa.u1 $0x1  }
0x53: {  	[sflag:s31] =	ssyncpa.u1 $0x1  }
0x54: {  	p0 =	sne.s32 s0, $0x0;
	_ =	strace $0x90000047  }
0x55: {  	s0 =	sadd.s32 @!p0 $0x100000, s1;
	[bflag:$0x2] =	sbarrier.arrive $0xFFFF  }
0x56: {  	[sflag:s0] =	ssyncadd.tile.s32 @!p0 $0x1;
	_ =	shalt  }
.Lfunc_end1:
_tile_overlayer_lowered:
.L_overlay_start_2:
0x57: {  	(tag) =	ssettag $0x2  }
0x58: {  	s0 =	rddreg [dreg:$0x0];
	s2 =	stileid.u32  }
0x59: {  	s1 =	rddreg [dreg:$0x1];
	p0 =	sne.s32 s2, $0x0  }
0x5a: {  	s3 =	rddreg [dreg:$0x2];
	[bflag:$0x3] =	sbarrier.arrive $0xFFFF;
	s2 =	simm.s32 @!p0 $0x1C01  }
0x5b: {  	[timem:s3], [sflag:s2] =	dma.local @!p0 [hbm:s0], s1  }
0x5c: {  	s0 =	simm.s32 @!p0 $0x1  }
0x5d: {  	_ =	swait.ge @!p0 [sflag:s0], s1  }
0x5e: {  	s1 =	ssub.s32 @!p0 $0x0, s1;
	[sflag:s0] =	ssyncset.done @!p0 $0x0  }
0x5f: {  	[sflag:s0] =	ssyncadd.s32 @!p0 s1  }
0x60: {  	[bflag:$0x3] =	sbarrier.arrive $0xFFFF  }
0x61: {  	_ =	shalt  }

</sc_bundles>
